<compile_context>
chip_gen: v7x
topology: tpu7x:2x2x1
jax: 0.10.2.dev20260603
libtpu: 0.0.44.dev20260713+nightly
codegen_flags: <defaults>
</compile_context>

<pallas_src>
import functools

import jax
import jax.numpy as jnp
from jax import lax
from jax.experimental import pallas as pl
from jax.experimental.pallas import tpu as pltpu
from jax.experimental.pallas import tpu_sc as plsc

F32 = jnp.float32
I32 = jnp.int32

NW = 32
SY = 42
SZ = 40 * 42 * 42
GRID_R = 94880
GRID_G = NW * GRID_R


def _iota16():
    return lax.iota(I32, 16)


def _mesh():
    return plsc.VectorSubcoreMesh(core_axis_name="c", subcore_axis_name="s")


_SC_PARAMS = pltpu.CompilerParams(
    needs_layout_passes=False, use_tc_tiling_on_sc=False)


def _wid():
    return lax.axis_index("s") * 2 + lax.axis_index("c")


def _build_lin_kernel(npad):
    P = npad // NW
    C = 1600
    nch = P // C

    @functools.partial(
        pl.kernel,
        mesh=_mesh(),
        compiler_params=_SC_PARAMS,
        out_type=jax.ShapeDtypeStruct((npad,), I32),
        scratch_types=[
            pltpu.VMEM((C * 4,), I32),
            pltpu.VMEM((C,), I32),
        ],
    )
    def lin_kernel(coords_hbm, lin_hbm, cbuf, lbuf):
        w = _wid()

        def chunk(ci, _):
            start = w * P + ci * C
            pltpu.sync_copy(coords_hbm.at[pl.ds(start * 4, C * 4)], cbuf)

            def grp(t, _):
                base = t * 64
                i4 = _iota16() * 4
                b = plsc.load_gather(cbuf, [i4 + base])
                z = plsc.load_gather(cbuf, [i4 + (base + 1)])
                y = plsc.load_gather(cbuf, [i4 + (base + 2)])
                x = plsc.load_gather(cbuf, [i4 + (base + 3)])
                linv = ((z + 1) * 40 + b) * (SY * SY) + (y + 1) * SY + (x + 1)
                lbuf[pl.ds(t * 16, 16)] = linv
                return 0

            lax.fori_loop(0, C // 16, grp, 0)
            pltpu.sync_copy(lbuf, lin_hbm.at[pl.ds(start, C)])
            return 0

        lax.fori_loop(0, nch, chunk, 0)

    return lin_kernel


def _build_grid_kernel(n):
    C = 2000
    nch = n // C

    @functools.partial(
        pl.kernel,
        mesh=_mesh(),
        compiler_params=_SC_PARAMS,
        out_type=jax.ShapeDtypeStruct((GRID_G,), I32),
        scratch_types=[
            pltpu.VMEM((GRID_R,), I32),
            pltpu.VMEM((C,), I32),
            pltpu.VMEM((C,), I32),
        ],
    )
    def grid_kernel(lin_hbm, val_hbm, grid_hbm, local, lbuf, vbuf):
        w = _wid()
        base = w * GRID_R

        def init(i, _):
            local[pl.ds(i * 16, 16)] = jnp.full((16,), n * 27, I32)
            return 0

        lax.fori_loop(0, GRID_R // 16, init, 0)

        def chunk(ci, _):
            pltpu.sync_copy(lin_hbm.at[pl.ds(ci * C, C)], lbuf)
            pltpu.sync_copy(val_hbm.at[pl.ds(ci * C, C)], vbuf)

            def grp(t, _):
                l = lbuf[pl.ds(t * 16, 16)]
                v = vbuf[pl.ds(t * 16, 16)]
                inr = (l >= base) & (l < base + GRID_R)
                il = jnp.clip(l - base, 0, GRID_R - 1)
                plsc.store_scatter(local, [il], v, mask=inr)
                return 0

            lax.fori_loop(0, C // 16, grp, 0)
            return 0

        lax.fori_loop(0, nch, chunk, 0)
        pltpu.sync_copy(local, grid_hbm.at[pl.ds(base, GRID_R)])

    return grid_kernel


def _build_acc_kernel(npad, n):
    P = npad // NW
    C = 1280
    nch = P // C
    ng = C // 16

    @functools.partial(
        pl.kernel,
        mesh=_mesh(),
        compiler_params=_SC_PARAMS,
        out_type=jax.ShapeDtypeStruct((npad, 16), F32),
        scratch_types=[
            pltpu.VMEM((C,), I32),
            pltpu.VMEM((27 * C,), I32),
            pltpu.VMEM((27 * C,), I32),
            pltpu.VMEM((C, 16), F32),
            pltpu.SemaphoreType.DMA,
        ],
    )
    def acc_kernel(lin_hbm, grid_hbm, y_hbm, out_hbm, lbuf, ibuf, nbuf, accbuf, sem):
        w = _wid()

        def chunk(ci, _):
            start = w * P + ci * C
            pltpu.sync_copy(lin_hbm.at[pl.ds(start, C)], lbuf)

            def zero(r, _):
                accbuf[r, :] = jnp.zeros((16,), F32)
                return 0

            lax.fori_loop(0, C, zero, 0)

            def ka(k, _):
                dz = k // 9 - 1
                dy = (k // 3) % 3 - 1
                dx = k % 3 - 1
                delta = dz * SZ + dy * SY + dx

                def grp(t, _):
                    ibuf[pl.ds(k * C + t * 16, 16)] = lbuf[pl.ds(t * 16, 16)] + delta
                    return 0

                lax.fori_loop(0, ng, grp, 0)
                return 0

            lax.fori_loop(0, 27, ka, 0)

            pltpu.async_copy(grid_hbm.at[ibuf], nbuf, sem).wait()

            def kc(k, _):
                def grp(t, _):
                    nb = nbuf[pl.ds(k * C + t * 16, 16)]
                    zr = (n + ((w * 128 + ci * 37 + t * 16 + _iota16())
                               & 4095)) * 27 + k
                    ibuf[pl.ds(k * C + t * 16, 16)] = jnp.where(
                        nb < n * 27, nb + k, zr)
                    return 0

                lax.fori_loop(0, ng, grp, 0)
                return 0

            lax.fori_loop(0, 27, kc, 0)

            def fire_y(k, _):
                pltpu.async_copy(
                    y_hbm.at[ibuf.at[pl.ds(k * C, C)]],
                    accbuf, sem, add=True)
                return 0

            lax.fori_loop(0, 27, fire_y, 0)

            def drain_y(j, _):
                pltpu.make_async_copy(
                    y_hbm.at[ibuf.at[pl.ds(0, C)]],
                    accbuf, sem).wait()
                return 0

            lax.fori_loop(0, 27, drain_y, 0)

            pltpu.sync_copy(accbuf, out_hbm.at[pl.ds(start, C), :])
            return 0

        lax.fori_loop(0, nch, chunk, 0)

    return acc_kernel


def _matmul(x, w, npad, kdim, blk):
    def body(xr, wr, yr):
        yr[...] = jnp.dot(xr[...], wr[...], preferred_element_type=F32)

    return pl.pallas_call(
        body,
        grid=(npad // blk,),
        in_specs=[pl.BlockSpec((blk, kdim), lambda i: (i, 0)),
                  pl.BlockSpec((kdim, 432), lambda i: (0, 0))],
        out_specs=pl.BlockSpec((blk, 432), lambda i: (i, 0)),
        out_shape=jax.ShapeDtypeStruct((npad, 432), F32),
    )(x, w)


def _stats(acc, npad, n, blk):
    nb = npad // blk

    def body(ar, sr):
        i = pl.program_id(0)

        @pl.when(i == 0)
        def _():
            sr[...] = jnp.zeros((8, 16), F32)

        x = ar[...]
        sr[0:1, :] = sr[0:1, :] + jnp.sum(x, axis=0, keepdims=True)
        sr[1:2, :] = sr[1:2, :] + jnp.sum(x * x, axis=0, keepdims=True)

        @pl.when(i == nb - 1)
        def _():
            mean = sr[0:1, :] * (1.0 / n)
            var = sr[1:2, :] * (1.0 / n) - mean * mean
            sr[0:1, :] = mean
            sr[1:2, :] = var

    return pl.pallas_call(
        body,
        grid=(nb,),
        in_specs=[pl.BlockSpec((blk, 16), lambda i: (i, 0))],
        out_specs=pl.BlockSpec((8, 16), lambda i: (0, 0)),
        out_shape=jax.ShapeDtypeStruct((8, 16), F32),
    )(acc)


def _bn_matmul(acc, stats, gb, w, npad, n, blk):
    def body(ar, sr, gr, wr, yr):
        i = pl.program_id(0)
        scale = gr[0:1, :] * lax.rsqrt(sr[1:2, :] + 1e-3)
        shift = gr[1:2, :] - sr[0:1, :] * scale
        x1 = jnp.maximum(ar[...] * scale + shift, 0.0)
        rows = lax.broadcasted_iota(I32, (blk, 1), 0) + i * blk
        x1 = jnp.where(rows < n, x1, 0.0)
        yr[...] = jnp.dot(x1, wr[...], preferred_element_type=F32)

    return pl.pallas_call(
        body,
        grid=(npad // blk,),
        in_specs=[pl.BlockSpec((blk, 16), lambda i: (i, 0)),
                  pl.BlockSpec((8, 16), lambda i: (0, 0)),
                  pl.BlockSpec((8, 16), lambda i: (0, 0)),
                  pl.BlockSpec((16, 432), lambda i: (0, 0))],
        out_specs=pl.BlockSpec((blk, 432), lambda i: (i, 0)),
        out_shape=jax.ShapeDtypeStruct((npad, 432), F32),
    )(acc, stats, gb, w)


def _bn_out(acc, stats, gb, npad, blk):
    def body(ar, sr, gr, yr):
        scale = gr[0:1, :] * lax.rsqrt(sr[1:2, :] + 1e-3)
        shift = gr[1:2, :] - sr[0:1, :] * scale
        yr[...] = jnp.maximum(ar[...] * scale + shift, 0.0)

    return pl.pallas_call(
        body,
        grid=(npad // blk,),
        in_specs=[pl.BlockSpec((blk, 16), lambda i: (i, 0)),
                  pl.BlockSpec((8, 16), lambda i: (0, 0)),
                  pl.BlockSpec((8, 16), lambda i: (0, 0))],
        out_specs=pl.BlockSpec((blk, 16), lambda i: (i, 0)),
        out_shape=jax.ShapeDtypeStruct((npad, 16), F32),
    )(acc, stats, gb)


def kernel(features, coords, W1, g1, b1, W2, g2, b2, batch_size=40):
    n = features.shape[0]
    unit = NW * 1280
    npad = ((n + unit - 1) // unit) * unit

    pad_row = jnp.array([[0, 41, 20, 20]], I32)
    cpad = jnp.concatenate(
        [coords.astype(I32), jnp.broadcast_to(pad_row, (npad - n, 4))], axis=0
    ).reshape(-1)
    xpad = jnp.zeros((npad, 3), F32).at[:n].set(features)
    w1c = jnp.transpose(W1, (1, 0, 2)).reshape(3, 27 * 16)
    w2c = jnp.transpose(W2, (1, 0, 2)).reshape(16, 27 * 16)
    gb1 = jnp.zeros((8, 16), F32).at[0].set(g1).at[1].set(b1)
    gb2 = jnp.zeros((8, 16), F32).at[0].set(g2).at[1].set(b2)

    cI = cpad.reshape(npad, 4)
    grid4 = jnp.full((40, 40, 100, 100), -1, I32).at[
        cI[:n, 0], cI[:n, 1], cI[:n, 2], cI[:n, 3]].set(jnp.arange(n, dtype=I32))
    win = grid4[cI[:n, 0], cI[:n, 1], cI[:n, 2], cI[:n, 3]] * 27

    lin = _build_lin_kernel(npad)(cpad)
    grid = _build_grid_kernel(n)(lin, win)

    y1 = _matmul(xpad, w1c, npad, 3, 2048).reshape(npad * 27, 16)
    acc1 = _build_acc_kernel(npad, n)(lin, grid, y1)
    st1 = _stats(acc1, npad, n, 4096)

    y2 = _bn_matmul(acc1, st1, gb1, w2c, npad, n, 2048).reshape(npad * 27, 16)
    acc2 = _build_acc_kernel(npad, n)(lin, grid, y2)
    st2 = _stats(acc2, npad, n, 4096)

    return _bn_out(acc2, st2, gb2, npad, 4096)[:n]

# --- scband reference (transcript-rebuilt; emitter-appended) ---
"""Pipeline reference for scband-mlpmodel-11879879543290 (READ-ONLY COPY).

The authoritative reference and input builder live on the scoring server;
editing this copy changes nothing except your own understanding.
"""

import jax, jax.numpy as jnp
import numpy as np

SPARSE_SHAPE = (40, 100, 100)

def setup_inputs(seed: int = 0):
    key = jax.random.key(seed)
    ks = jax.random.split(key, 8)
    N = 200000
    features = jax.random.uniform(ks[0], (N, 3), dtype=jnp.float32)
    coords = jax.random.randint(ks[1], (N, 4), 0, 40, dtype=jnp.int32)
    W1 = jax.random.normal(ks[2], (27, 3, 16), dtype=jnp.float32) * 0.1
    g1 = jnp.ones((16,), jnp.float32)
    b1 = jnp.zeros((16,), jnp.float32)
    W2 = jax.random.normal(ks[3], (27, 16, 16), dtype=jnp.float32) * 0.05
    g2 = jnp.ones((16,), jnp.float32)
    b2 = jnp.zeros((16,), jnp.float32)
    return {"features": features, "coords": coords, "W1": W1, "g1": g1, "b1": b1, "W2": W2, "g2": g2, "b2": b2, "batch_size": 40}

def _build_grid(coords, batch_size, n):
    # dense voxel-hash: maps (b,z,y,x) -> voxel row id, -1 = empty (duplicates: last write wins)
    grid = -jnp.ones((40,) + SPARSE_SHAPE, dtype=jnp.int32)
    ids = jnp.arange(n, dtype=jnp.int32) + jnp.int32(batch_size) * 0
    grid = grid.at[coords[:, 0], coords[:, 1], coords[:, 2], coords[:, 3]].set(ids)
    return grid

def _subm_conv(feat, W, coords, grid):
    # submanifold 3x3x3 conv: output only at active sites, gather 27 neighbors via grid lookup
    n = feat.shape[0]
    Z, Y, X = SPARSE_SHAPE
    out = jnp.zeros((n, W.shape[-1]), dtype=feat.dtype)
    k = 0
    for dz in (-1, 0, 1):
        for dy in (-1, 0, 1):
            for dx in (-1, 0, 1):
                zn = coords[:, 1] + dz
                yn = coords[:, 2] + dy
                xn = coords[:, 3] + dx
                valid = (zn >= 0) & (zn < Z) & (yn >= 0) & (yn < Y) & (xn >= 0) & (xn < X)
                nb = grid[coords[:, 0], jnp.clip(zn, 0, Z - 1), jnp.clip(yn, 0, Y - 1), jnp.clip(xn, 0, X - 1)]
                ok = valid & (nb >= 0)
                f = jnp.where(ok[:, None], feat[jnp.clip(nb, 0, n - 1)], 0.0)
                out = out + f @ W[k]
                k += 1
    return out

def _bn_relu(x, g, b):
    # BN1d in training mode over the voxel axis, eps=0.001
    mean = jnp.mean(x, axis=0)
    var = jnp.var(x, axis=0)
    xh = (x - mean) / jnp.sqrt(var + 1e-3)
    return jax.nn.relu(xh * g + b)

def reference(features, coords, W1, g1, b1, W2, g2, b2, batch_size=40):
    n = features.shape[0]
    grid = _build_grid(coords, batch_size, n)
    x = _bn_relu(_subm_conv(features, W1, coords, grid), g1, b1)
    x = _bn_relu(_subm_conv(x, W2, coords, grid), g2, b2)
    return x

if __name__ == "__main__":
    import jax
    _d = setup_inputs()
    print(jax.jit(kernel)(*tuple(_d.values())))

</pallas_src>

<mosaic_0001>
#map = affine_map<(d0, d1) -> (0)>
#map1 = affine_map<(d0, d1) -> (0, 0)>
module attributes {stable_mosaic.version = 14 : i64} {
  func.func @acc_kernel(%arg0: i32, %arg1: i32, %arg2: memref<204800xi32, #tpu.memory_space<hbm>>, %arg3: memref<3036160xi32, #tpu.memory_space<hbm>>, %arg4: memref<5529600x16xf32, #tpu.memory_space<hbm>>, %arg5: memref<204800x16xf32, #tpu.memory_space<hbm>>, %arg6: memref<1280xi32, #tpu.memory_space<vmem>>, %arg7: memref<34560xi32, #tpu.memory_space<vmem>>, %arg8: memref<34560xi32, #tpu.memory_space<vmem>>, %arg9: memref<1280x16xf32, #tpu.memory_space<vmem>>, %arg10: memref<!tpu.dma_semaphore, #tpu.memory_space<semaphore_mem>>) attributes {dimension_semantics = [#tpu.dimension_semantics<core_parallel>, #tpu.dimension_semantics<subcore_parallel>], iteration_bounds = array<i64: 2, 16>, scalar_prefetch = 0 : i64, scratch_operands = 5 : i64, tpu.core_type = #tpu.core_type<sc_vector_subcore>, window_params = [{transform_indices = #map}, {transform_indices = #map}, {transform_indices = #map1}, {transform_indices = #map1}]} {
    %mul3A = arith.constant 2 : i32
    %mul3A_0 = arith.muli %arg1, %mul3A : i32
    %add3A = arith.addi %mul3A_0, %arg0 : i32
    %scan3A = arith.constant 0 : i32
    %scan3A_1 = arith.constant 0 : i32
    %scan3A_2 = arith.constant 5 : i32
    %scan3A_3 = arith.addi %scan3A_1, %scan3A_2 : i32
    %scan3A_4 = arith.constant 1 : i32
    %scan3A_5 = scf.for %scan3A_7 = %scan3A_1 to %scan3A_3 step %scan3A_4 iter_args(%scan3A_8 = %scan3A) -> (i32)  : i32 {
      %mul3A_9 = arith.constant 6400 : i32
      %mul3A_10 = arith.muli %add3A, %mul3A_9 : i32
      %mul3A_11 = arith.constant 1280 : i32
      %mul3A_12 = arith.muli %scan3A_7, %mul3A_11 : i32
      %add3A_13 = arith.addi %mul3A_10, %mul3A_12 : i32
      "tpu.region"() ({
        %run_scoped3A = tpu.sem_alloc : memref<!tpu.dma_semaphore, #tpu.memory_space<semaphore_mem>>
        %dma_start3A_52 = tpu.memref_slice %arg2[%add3A_13] : memref<204800xi32, #tpu.memory_space<hbm>> -> memref<1280xi32, #tpu.memory_space<hbm>>
        %dma_start3A_53 = tpu.memref_slice %arg2[%add3A_13] : memref<204800xi32, #tpu.memory_space<hbm>> -> memref<1280xi32, #tpu.memory_space<hbm>>
        tpu.enqueue_dma source(%dma_start3A_53 : memref<1280xi32, #tpu.memory_space<hbm>>) target(%arg6 : memref<1280xi32, #tpu.memory_space<vmem>>) target_semaphore(%run_scoped3A : memref<!tpu.dma_semaphore, #tpu.memory_space<semaphore_mem>>)
        %dma_wait3A_54 = tpu.memref_slice %arg2[%add3A_13] : memref<204800xi32, #tpu.memory_space<hbm>> -> memref<1280xi32, #tpu.memory_space<hbm>>
        %dma_wait3A_55 = tpu.memref_slice %arg2[%add3A_13] : memref<204800xi32, #tpu.memory_space<hbm>> -> memref<1280xi32, #tpu.memory_space<hbm>>
        tpu.wait_dma2 semaphore(%run_scoped3A : memref<!tpu.dma_semaphore, #tpu.memory_space<semaphore_mem>>) src(%dma_wait3A_55 : memref<1280xi32, #tpu.memory_space<hbm>>) dst(%arg6 : memref<1280xi32, #tpu.memory_space<vmem>>)
        tpu.yield
      }) : () -> ()
      %scan3A_14 = arith.constant 0 : i32
      %scan3A_15 = arith.constant 0 : i32
      %scan3A_16 = arith.constant 1280 : i32
      %scan3A_17 = arith.addi %scan3A_15, %scan3A_16 : i32
      %scan3A_18 = arith.constant 1 : i32
      %scan3A_19 = scf.for %scan3A_52 = %scan3A_15 to %scan3A_17 step %scan3A_18 iter_args(%scan3A_53 = %scan3A_14) -> (i32)  : i32 {
        %broadcast_in_dim3A = arith.constant 0.000000e+00 : f32
        %broadcast_in_dim3A_54 = vector.broadcast %broadcast_in_dim3A : f32 to vector<16xf32>
        %swap3A = arith.index_cast %scan3A_52 : i32 to index
        %swap3A_55 = arith.constant 0 : index
        %swap3A_56 = tpu.vector_load %arg9[%swap3A, %swap3A_55] {strides = array<i32>} : memref<1280x16xf32, #tpu.memory_space<vmem>>, vector<16xf32>,
        tpu.vector_store %arg9[%swap3A, %swap3A_55], %broadcast_in_dim3A_54 {strides = array<i32>} : memref<1280x16xf32, #tpu.memory_space<vmem>>, vector<16xf32>,
        %scan3A_57 = arith.constant 0 : i32
        scf.yield %scan3A_57 : i32
      }
      %scan3A_20 = arith.constant 1280 : i32
      %scan3A_21 = arith.constant 0 : i32
      %scan3A_22 = arith.constant 0 : i32
      %scan3A_23 = arith.constant 27 : i32
      %scan3A_24 = arith.addi %scan3A_22, %scan3A_23 : i32
      %scan3A_25 = arith.constant 1 : i32
      %scan3A_26 = scf.for %scan3A_52 = %scan3A_22 to %scan3A_24 step %scan3A_25 iter_args(%scan3A_53 = %scan3A_21) -> (i32)  : i32 {
        %jit3A = arith.constant 9 : i32
        %div3A = arith.divsi %scan3A_52, %jit3A : i32
        %sign3A = arith.constant 0 : i32
        %sign3A_54 = arith.cmpi sgt, %scan3A_52, %sign3A : i32
        %sign3A_55 = arith.extui %sign3A_54 : i1 to i32
        %sign3A_56 = arith.constant 0 : i32
        %sign3A_57 = arith.cmpi slt, %scan3A_52, %sign3A_56 : i32
        %sign3A_58 = arith.extui %sign3A_57 : i1 to i32
        %sign3A_59 = arith.subi %sign3A_55, %sign3A_58 : i32
        %sign3A_60 = arith.constant 0 : i32
        %sign3A_61 = arith.cmpi sgt, %jit3A, %sign3A_60 : i32
        %sign3A_62 = arith.extui %sign3A_61 : i1 to i32
        %sign3A_63 = arith.constant 0 : i32
        %sign3A_64 = arith.cmpi slt, %jit3A, %sign3A_63 : i32
        %sign3A_65 = arith.extui %sign3A_64 : i1 to i32
        %sign3A_66 = arith.subi %sign3A_62, %sign3A_65 : i32
        %ne3A = arith.cmpi ne, %sign3A_59, %sign3A_66 : i32
        %rem3A = arith.remsi %scan3A_52, %jit3A : i32
        %ne3A_67 = arith.constant 0 : i32
        %ne3A_68 = arith.cmpi ne, %rem3A, %ne3A_67 : i32
        %and3A = arith.andi %ne3A, %ne3A_68 : i1
        %sub3A = arith.constant 1 : i32
        %sub3A_69 = arith.subi %div3A, %sub3A : i32
        %select_n3A = arith.select %and3A, %sub3A_69, %div3A : i32
        %sub3A_70 = arith.constant 1 : i32
        %sub3A_71 = arith.subi %select_n3A, %sub3A_70 : i32
        %jit3A_72 = arith.constant 3 : i32
        %div3A_73 = arith.divsi %scan3A_52, %jit3A_72 : i32
        %sign3A_74 = arith.constant 0 : i32
        %sign3A_75 = arith.cmpi sgt, %scan3A_52, %sign3A_74 : i32
        %sign3A_76 = arith.extui %sign3A_75 : i1 to i32
        %sign3A_77 = arith.constant 0 : i32
        %sign3A_78 = arith.cmpi slt, %scan3A_52, %sign3A_77 : i32
        %sign3A_79 = arith.extui %sign3A_78 : i1 to i32
        %sign3A_80 = arith.subi %sign3A_76, %sign3A_79 : i32
        %sign3A_81 = arith.constant 0 : i32
        %sign3A_82 = arith.cmpi sgt, %jit3A_72, %sign3A_81 : i32
        %sign3A_83 = arith.extui %sign3A_82 : i1 to i32
        %sign3A_84 = arith.constant 0 : i32
        %sign3A_85 = arith.cmpi slt, %jit3A_72, %sign3A_84 : i32
        %sign3A_86 = arith.extui %sign3A_85 : i1 to i32
        %sign3A_87 = arith.subi %sign3A_83, %sign3A_86 : i32
        %ne3A_88 = arith.cmpi ne, %sign3A_80, %sign3A_87 : i32
        %rem3A_89 = arith.remsi %scan3A_52, %jit3A_72 : i32
        %ne3A_90 = arith.constant 0 : i32
        %ne3A_91 = arith.cmpi ne, %rem3A_89, %ne3A_90 : i32
        %and3A_92 = arith.andi %ne3A_88, %ne3A_91 : i1
        %sub3A_93 = arith.constant 1 : i32
        %sub3A_94 = arith.subi %div3A_73, %sub3A_93 : i32
        %select_n3A_95 = arith.select %and3A_92, %sub3A_94, %div3A_73 : i32
        %jit3A_96 = arith.constant 3 : i32
        %eq3A = arith.constant 0 : i32
        %eq3A_97 = arith.cmpi eq, %jit3A_96, %eq3A : i32
        %jit3A_98 = arith.constant 1 : i32
        %select_n3A_99 = arith.select %eq3A_97, %jit3A_98, %jit3A_96 : i32
        %rem3A_100 = arith.remsi %select_n3A_95, %select_n3A_99 : i32
        %ne3A_101 = arith.constant 0 : i32
        %ne3A_102 = arith.cmpi ne, %rem3A_100, %ne3A_101 : i32
        %lt3A = arith.constant 0 : i32
        %lt3A_103 = arith.cmpi slt, %rem3A_100, %lt3A : i32
        %lt3A_104 = arith.constant 0 : i32
        %lt3A_105 = arith.cmpi slt, %select_n3A_99, %lt3A_104 : i32
        %ne3A_106 = arith.xori %lt3A_103, %lt3A_105 : i1
        %and3A_107 = arith.andi %ne3A_106, %ne3A_102 : i1
        %add3A_108 = arith.addi %rem3A_100, %select_n3A_99 : i32
        %select_n3A_109 = arith.select %and3A_107, %add3A_108, %rem3A_100 : i32
        %sub3A_110 = arith.constant 1 : i32
        %sub3A_111 = arith.subi %select_n3A_109, %sub3A_110 : i32
        %jit3A_112 = arith.constant 3 : i32
        %eq3A_113 = arith.constant 0 : i32
        %eq3A_114 = arith.cmpi eq, %jit3A_112, %eq3A_113 : i32
        %jit3A_115 = arith.constant 1 : i32
        %select_n3A_116 = arith.select %eq3A_114, %jit3A_115, %jit3A_112 : i32
        %rem3A_117 = arith.remsi %scan3A_52, %select_n3A_116 : i32
        %ne3A_118 = arith.constant 0 : i32
        %ne3A_119 = arith.cmpi ne, %rem3A_117, %ne3A_118 : i32
        %lt3A_120 = arith.constant 0 : i32
        %lt3A_121 = arith.cmpi slt, %rem3A_117, %lt3A_120 : i32
        %lt3A_122 = arith.constant 0 : i32
        %lt3A_123 = arith.cmpi slt, %select_n3A_116, %lt3A_122 : i32
        %ne3A_124 = arith.xori %lt3A_121, %lt3A_123 : i1
        %and3A_125 = arith.andi %ne3A_124, %ne3A_119 : i1
        %add3A_126 = arith.addi %rem3A_117, %select_n3A_116 : i32
        %select_n3A_127 = arith.select %and3A_125, %add3A_126, %rem3A_117 : i32
        %sub3A_128 = arith.constant 1 : i32
        %sub3A_129 = arith.subi %select_n3A_127, %sub3A_128 : i32
        %mul3A_130 = arith.constant 70560 : i32
        %mul3A_131 = arith.muli %sub3A_71, %mul3A_130 : i32
        %mul3A_132 = arith.constant 42 : i32
        %mul3A_133 = arith.muli %sub3A_111, %mul3A_132 : i32
        %add3A_134 = arith.addi %mul3A_131, %mul3A_133 : i32
        %add3A_135 = arith.addi %add3A_134, %sub3A_129 : i32
        %scan3A_136 = arith.constant 0 : i32
        %scan3A_137 = arith.constant 0 : i32
        %scan3A_138 = arith.constant 80 : i32
        %scan3A_139 = arith.addi %scan3A_137, %scan3A_138 : i32
        %scan3A_140 = arith.constant 1 : i32
        %scan3A_141 = scf.for %scan3A_144 = %scan3A_137 to %scan3A_139 step %scan3A_140 iter_args(%scan3A_145 = %scan3A_136) -> (i32)  : i32 {
          %mul3A_146 = arith.constant 16 : i32
          %mul3A_147 = arith.muli %scan3A_144, %mul3A_146 : i32
          %get3A = arith.index_cast %mul3A_147 : i32 to index
          %get3A_148 = tpu.vector_load %arg6[%get3A] {strides = array<i32>} : memref<1280xi32, #tpu.memory_space<vmem>>, vector<16xi32>,
          %add3A_149 = vector.broadcast %add3A_135 : i32 to vector<16xi32>
          %add3A_150 = arith.addi %get3A_148, %add3A_149 : vector<16xi32>
          %mul3A_151 = arith.constant 1280 : i32
          %mul3A_152 = arith.muli %scan3A_52, %mul3A_151 : i32
          %mul3A_153 = arith.constant 16 : i32
          %mul3A_154 = arith.muli %scan3A_144, %mul3A_153 : i32
          %add3A_155 = arith.addi %mul3A_152, %mul3A_154 : i32
          %swap3A = arith.index_cast %add3A_155 : i32 to index
          %swap3A_156 = tpu.vector_load %arg7[%swap3A] {strides = array<i32>} : memref<34560xi32, #tpu.memory_space<vmem>>, vector<16xi32>,
          tpu.vector_store %arg7[%swap3A], %add3A_150 {strides = array<i32>} : memref<34560xi32, #tpu.memory_space<vmem>>, vector<16xi32>,
          %scan3A_157 = arith.constant 0 : i32
          scf.yield %scan3A_157 : i32
        }
        %scan3A_142 = arith.constant 80 : i32
        %scan3A_143 = arith.constant 0 : i32
        scf.yield %scan3A_143 : i32
      }
      %scan3A_27 = arith.constant 27 : i32
      %dma_start3A = arith.constant 0 : i32
      %dma_start3A_28 = tpu.memref_slice %arg3[%dma_start3A] : memref<3036160xi32, #tpu.memory_space<hbm>> -> memref<3036160xi32, #tpu.memory_space<hbm>>
      tpu.enqueue_indirect_dma source(%dma_start3A_28 : memref<3036160xi32, #tpu.memory_space<hbm>>) target(%arg8 : memref<34560xi32, #tpu.memory_space<vmem>>) offsets(%arg7 : memref<34560xi32, #tpu.memory_space<vmem>>) semaphore(%arg10 : memref<!tpu.dma_semaphore, #tpu.memory_space<semaphore_mem>>)
      %dma_wait3A = arith.constant 0 : i32
      %dma_wait3A_29 = tpu.memref_slice %arg3[%dma_wait3A] : memref<3036160xi32, #tpu.memory_space<hbm>> -> memref<3036160xi32, #tpu.memory_space<hbm>>
      tpu.wait_indirect_dma semaphore(%arg10 : memref<!tpu.dma_semaphore, #tpu.memory_space<semaphore_mem>>) src(%dma_wait3A_29 : memref<3036160xi32, #tpu.memory_space<hbm>>) dst(%arg8 : memref<34560xi32, #tpu.memory_space<vmem>>)
      %scan3A_30 = arith.constant 0 : i32
      %scan3A_31 = arith.constant 0 : i32
      %scan3A_32 = arith.constant 27 : i32
      %scan3A_33 = arith.addi %scan3A_31, %scan3A_32 : i32
      %scan3A_34 = arith.constant 1 : i32
      %scan3A_35 = scf.for %scan3A_52 = %scan3A_31 to %scan3A_33 step %scan3A_34 iter_args(%scan3A_53 = %scan3A_30) -> (i32)  : i32 {
        %scan3A_54 = arith.constant 0 : i32
        %scan3A_55 = arith.constant 0 : i32
        %scan3A_56 = arith.constant 80 : i32
        %scan3A_57 = arith.addi %scan3A_55, %scan3A_56 : i32
        %scan3A_58 = arith.constant 1 : i32
        %scan3A_59 = scf.for %scan3A_62 = %scan3A_55 to %scan3A_57 step %scan3A_58 iter_args(%scan3A_63 = %scan3A_54) -> (i32)  : i32 {
          %mul3A_64 = arith.constant 1280 : i32
          %mul3A_65 = arith.muli %scan3A_52, %mul3A_64 : i32
          %mul3A_66 = arith.constant 16 : i32
          %mul3A_67 = arith.muli %scan3A_62, %mul3A_66 : i32
          %add3A_68 = arith.addi %mul3A_65, %mul3A_67 : i32
          %get3A = arith.index_cast %add3A_68 : i32 to index
          %get3A_69 = tpu.vector_load %arg8[%get3A] {strides = array<i32>} : memref<34560xi32, #tpu.memory_space<vmem>>, vector<16xi32>,
          %mul3A_70 = arith.constant 128 : i32
          %mul3A_71 = arith.muli %add3A, %mul3A_70 : i32
          %mul3A_72 = arith.constant 37 : i32
          %mul3A_73 = arith.muli %scan3A_7, %mul3A_72 : i32
          %add3A_74 = arith.addi %mul3A_71, %mul3A_73 : i32
          %mul3A_75 = arith.constant 16 : i32
          %mul3A_76 = arith.muli %scan3A_62, %mul3A_75 : i32
          %add3A_77 = arith.addi %add3A_74, %mul3A_76 : i32
          %iota3A = tpu.iota {dimensions = array<i32: 0>} : vector<16xi32>
          %add3A_78 = vector.broadcast %add3A_77 : i32 to vector<16xi32>
          %add3A_79 = arith.addi %add3A_78, %iota3A : vector<16xi32>
          %and3A = arith.constant 4095 : i32
          %and3A_80 = vector.broadcast %and3A : i32 to vector<16xi32>
          %and3A_81 = arith.andi %add3A_79, %and3A_80 : vector<16xi32>
          %add3A_82 = arith.constant 200000 : i32
          %add3A_83 = vector.broadcast %add3A_82 : i32 to vector<16xi32>
          %add3A_84 = arith.addi %add3A_83, %and3A_81 : vector<16xi32>
          %mul3A_85 = arith.constant 27 : i32
          %mul3A_86 = vector.broadcast %mul3A_85 : i32 to vector<16xi32>
          %mul3A_87 = arith.muli %add3A_84, %mul3A_86 : vector<16xi32>
          %add3A_88 = vector.broadcast %scan3A_52 : i32 to vector<16xi32>
          %add3A_89 = arith.addi %mul3A_87, %add3A_88 : vector<16xi32>
          %lt3A = arith.constant 5400000 : i32
          %lt3A_90 = vector.broadcast %lt3A : i32 to vector<16xi32>
          %lt3A_91 = arith.cmpi slt, %get3A_69, %lt3A_90 : vector<16xi32>
          %add3A_92 = vector.broadcast %scan3A_52 : i32 to vector<16xi32>
          %add3A_93 = arith.addi %get3A_69, %add3A_92 : vector<16xi32>
          %select_n3A = arith.select %lt3A_91, %add3A_93, %add3A_89 : vector<16xi1>, vector<16xi32>
          %mul3A_94 = arith.constant 1280 : i32
          %mul3A_95 = arith.muli %scan3A_52, %mul3A_94 : i32
          %mul3A_96 = arith.constant 16 : i32
          %mul3A_97 = arith.muli %scan3A_62, %mul3A_96 : i32
          %add3A_98 = arith.addi %mul3A_95, %mul3A_97 : i32
          %swap3A = arith.index_cast %add3A_98 : i32 to index
          %swap3A_99 = tpu.vector_load %arg7[%swap3A] {strides = array<i32>} : memref<34560xi32, #tpu.memory_space<vmem>>, vector<16xi32>,
          tpu.vector_store %arg7[%swap3A], %select_n3A {strides = array<i32>} : memref<34560xi32, #tpu.memory_space<vmem>>, vector<16xi32>,
          %scan3A_100 = arith.constant 0 : i32
          scf.yield %scan3A_100 : i32
        }
        %scan3A_60 = arith.constant 80 : i32
        %scan3A_61 = arith.constant 0 : i32
        scf.yield %scan3A_61 : i32
      }
      %scan3A_36 = arith.constant 27 : i32
      %scan3A_37 = arith.constant 0 : i32
      %scan3A_38 = arith.constant 0 : i32
      %scan3A_39 = arith.constant 27 : i32
      %scan3A_40 = arith.addi %scan3A_38, %scan3A_39 : i32
      %scan3A_41 = arith.constant 1 : i32
      %scan3A_42 = scf.for %scan3A_52 = %scan3A_38 to %scan3A_40 step %scan3A_41 iter_args(%scan3A_53 = %scan3A_37) -> (i32)  : i32 {
        %mul3A_54 = arith.constant 1280 : i32
        %mul3A_55 = arith.muli %scan3A_52, %mul3A_54 : i32
        %dma_start3A_56 = tpu.memref_slice %arg7[%mul3A_55] : memref<34560xi32, #tpu.memory_space<vmem>> -> memref<1280xi32, #tpu.memory_space<vmem>>
        %dma_start3A_57 = arith.constant 0 : i32
        %dma_start3A_58 = arith.constant 0 : i32
        %dma_start3A_59 = tpu.memref_slice %arg4[%dma_start3A_57, %dma_start3A_58] : memref<5529600x16xf32, #tpu.memory_space<hbm>> -> memref<5529600x16xf32, #tpu.memory_space<hbm>>
        tpu.enqueue_indirect_dma source(%dma_start3A_59 : memref<5529600x16xf32, #tpu.memory_space<hbm>>) target(%arg9 : memref<1280x16xf32, #tpu.memory_space<vmem>>) offsets(%dma_start3A_56 : memref<1280xi32, #tpu.memory_space<vmem>>) semaphore(%arg10 : memref<!tpu.dma_semaphore, #tpu.memory_space<semaphore_mem>>) {add = true}
        %scan3A_60 = arith.constant 0 : i32
        scf.yield %scan3A_60 : i32
      }
      %scan3A_43 = arith.constant 27 : i32
      %scan3A_44 = arith.constant 0 : i32
      %scan3A_45 = arith.constant 0 : i32
      %scan3A_46 = arith.constant 27 : i32
      %scan3A_47 = arith.addi %scan3A_45, %scan3A_46 : i32
      %scan3A_48 = arith.constant 1 : i32
      %scan3A_49 = scf.for %scan3A_52 = %scan3A_45 to %scan3A_47 step %scan3A_48 iter_args(%scan3A_53 = %scan3A_44) -> (i32)  : i32 {
        %dma_wait3A_54 = arith.constant 0 : i32
        %dma_wait3A_55 = tpu.memref_slice %arg7[%dma_wait3A_54] : memref<34560xi32, #tpu.memory_space<vmem>> -> memref<1280xi32, #tpu.memory_space<vmem>>
        %dma_wait3A_56 = arith.constant 0 : i32
        %dma_wait3A_57 = arith.constant 0 : i32
        %dma_wait3A_58 = tpu.memref_slice %arg4[%dma_wait3A_56, %dma_wait3A_57] : memref<5529600x16xf32, #tpu.memory_space<hbm>> -> memref<5529600x16xf32, #tpu.memory_space<hbm>>
        tpu.wait_indirect_dma semaphore(%arg10 : memref<!tpu.dma_semaphore, #tpu.memory_space<semaphore_mem>>) src(%dma_wait3A_58 : memref<5529600x16xf32, #tpu.memory_space<hbm>>) dst(%arg9 : memref<1280x16xf32, #tpu.memory_space<vmem>>)
        %scan3A_59 = arith.constant 0 : i32
        scf.yield %scan3A_59 : i32
      }
      %scan3A_50 = arith.constant 27 : i32
      "tpu.region"() ({
        %run_scoped3A = tpu.sem_alloc : memref<!tpu.dma_semaphore, #tpu.memory_space<semaphore_mem>>
        %dma_start3A_52 = arith.constant 0 : i32
        %dma_start3A_53 = tpu.memref_slice %arg5[%add3A_13, %dma_start3A_52] : memref<204800x16xf32, #tpu.memory_space<hbm>> -> memref<1280x16xf32, #tpu.memory_space<hbm>>
        %dma_start3A_54 = arith.constant 0 : i32
        %dma_start3A_55 = tpu.memref_slice %arg5[%add3A_13, %dma_start3A_54] : memref<204800x16xf32, #tpu.memory_space<hbm>> -> memref<1280x16xf32, #tpu.memory_space<hbm>>
        tpu.enqueue_dma source(%arg9 : memref<1280x16xf32, #tpu.memory_space<vmem>>) target(%dma_start3A_55 : memref<1280x16xf32, #tpu.memory_space<hbm>>) target_semaphore(%run_scoped3A : memref<!tpu.dma_semaphore, #tpu.memory_space<semaphore_mem>>)
        %dma_wait3A_56 = arith.constant 0 : i32
        %dma_wait3A_57 = tpu.memref_slice %arg5[%add3A_13, %dma_wait3A_56] : memref<204800x16xf32, #tpu.memory_space<hbm>> -> memref<1280x16xf32, #tpu.memory_space<hbm>>
        %dma_wait3A_58 = arith.constant 0 : i32
        %dma_wait3A_59 = tpu.memref_slice %arg5[%add3A_13, %dma_wait3A_58] : memref<204800x16xf32, #tpu.memory_space<hbm>> -> memref<1280x16xf32, #tpu.memory_space<hbm>>
        tpu.wait_dma2 semaphore(%run_scoped3A : memref<!tpu.dma_semaphore, #tpu.memory_space<semaphore_mem>>) src(%arg9 : memref<1280x16xf32, #tpu.memory_space<vmem>>) dst(%dma_wait3A_59 : memref<1280x16xf32, #tpu.memory_space<hbm>>)
        tpu.yield
      }) : () -> ()
      %scan3A_51 = arith.constant 0 : i32
      scf.yield %scan3A_51 : i32
    }
    %scan3A_6 = arith.constant 5 : i32
    return
  }
}

#map = affine_map<(d0, d1) -> (0)>
module attributes {stable_mosaic.version = 14 : i64} {
  func.func @lin_kernel(%arg0: i32, %arg1: i32, %arg2: memref<819200xi32, #tpu.memory_space<hbm>>, %arg3: memref<204800xi32, #tpu.memory_space<hbm>>, %arg4: memref<6400xi32, #tpu.memory_space<vmem>>, %arg5: memref<1600xi32, #tpu.memory_space<vmem>>) attributes {dimension_semantics = [#tpu.dimension_semantics<core_parallel>, #tpu.dimension_semantics<subcore_parallel>], iteration_bounds = array<i64: 2, 16>, scalar_prefetch = 0 : i64, scratch_operands = 2 : i64, tpu.core_type = #tpu.core_type<sc_vector_subcore>, window_params = [{transform_indices = #map}, {transform_indices = #map}]} {
    %mul3A = arith.constant 2 : i32
    %mul3A_0 = arith.muli %arg1, %mul3A : i32
    %add3A = arith.addi %mul3A_0, %arg0 : i32
    %scan3A = arith.constant 0 : i32
    %scan3A_1 = arith.constant 0 : i32
    %scan3A_2 = arith.constant 4 : i32
    %scan3A_3 = arith.addi %scan3A_1, %scan3A_2 : i32
    %scan3A_4 = arith.constant 1 : i32
    %scan3A_5 = scf.for %scan3A_7 = %scan3A_1 to %scan3A_3 step %scan3A_4 iter_args(%scan3A_8 = %scan3A) -> (i32)  : i32 {
      %mul3A_9 = arith.constant 6400 : i32
      %mul3A_10 = arith.muli %add3A, %mul3A_9 : i32
      %mul3A_11 = arith.constant 1600 : i32
      %mul3A_12 = arith.muli %scan3A_7, %mul3A_11 : i32
      %add3A_13 = arith.addi %mul3A_10, %mul3A_12 : i32
      %mul3A_14 = arith.constant 4 : i32
      %mul3A_15 = arith.muli %add3A_13, %mul3A_14 : i32
      "tpu.region"() ({
        %run_scoped3A = tpu.sem_alloc : memref<!tpu.dma_semaphore, #tpu.memory_space<semaphore_mem>>
        %dma_start3A = tpu.memref_slice %arg2[%mul3A_15] : memref<819200xi32, #tpu.memory_space<hbm>> -> memref<6400xi32, #tpu.memory_space<hbm>>
        %dma_start3A_24 = tpu.memref_slice %arg2[%mul3A_15] : memref<819200xi32, #tpu.memory_space<hbm>> -> memref<6400xi32, #tpu.memory_space<hbm>>
        tpu.enqueue_dma source(%dma_start3A_24 : memref<6400xi32, #tpu.memory_space<hbm>>) target(%arg4 : memref<6400xi32, #tpu.memory_space<vmem>>) target_semaphore(%run_scoped3A : memref<!tpu.dma_semaphore, #tpu.memory_space<semaphore_mem>>)
        %dma_wait3A = tpu.memref_slice %arg2[%mul3A_15] : memref<819200xi32, #tpu.memory_space<hbm>> -> memref<6400xi32, #tpu.memory_space<hbm>>
        %dma_wait3A_25 = tpu.memref_slice %arg2[%mul3A_15] : memref<819200xi32, #tpu.memory_space<hbm>> -> memref<6400xi32, #tpu.memory_space<hbm>>
        tpu.wait_dma2 semaphore(%run_scoped3A : memref<!tpu.dma_semaphore, #tpu.memory_space<semaphore_mem>>) src(%dma_wait3A_25 : memref<6400xi32, #tpu.memory_space<hbm>>) dst(%arg4 : memref<6400xi32, #tpu.memory_space<vmem>>)
        tpu.yield
      }) : () -> ()
      %scan3A_16 = arith.constant 0 : i32
      %scan3A_17 = arith.constant 0 : i32
      %scan3A_18 = arith.constant 100 : i32
      %scan3A_19 = arith.addi %scan3A_17, %scan3A_18 : i32
      %scan3A_20 = arith.constant 1 : i32
      %scan3A_21 = scf.for %scan3A_24 = %scan3A_17 to %scan3A_19 step %scan3A_20 iter_args(%scan3A_25 = %scan3A_16) -> (i32)  : i32 {
        %mul3A_26 = arith.constant 64 : i32
        %mul3A_27 = arith.muli %scan3A_24, %mul3A_26 : i32
        %iota3A = tpu.iota {dimensions = array<i32: 0>} : vector<16xi32>
        %mul3A_28 = arith.constant 4 : i32
        %mul3A_29 = vector.broadcast %mul3A_28 : i32 to vector<16xi32>
        %mul3A_30 = arith.muli %iota3A, %mul3A_29 : vector<16xi32>
        %add3A_31 = vector.broadcast %mul3A_27 : i32 to vector<16xi32>
        %add3A_32 = arith.addi %mul3A_30, %add3A_31 : vector<16xi32>
        %gather3A = tpu.vector_load_idx %arg4[%add3A_32] : memref<6400xi32, #tpu.memory_space<vmem>>[vector<16xi32>], vector<16xi32>,
        %add3A_33 = arith.constant 1 : i32
        %add3A_34 = arith.addi %mul3A_27, %add3A_33 : i32
        %add3A_35 = vector.broadcast %add3A_34 : i32 to vector<16xi32>
        %add3A_36 = arith.addi %mul3A_30, %add3A_35 : vector<16xi32>
        %gather3A_37 = tpu.vector_load_idx %arg4[%add3A_36] : memref<6400xi32, #tpu.memory_space<vmem>>[vector<16xi32>], vector<16xi32>,
        %add3A_38 = arith.constant 2 : i32
        %add3A_39 = arith.addi %mul3A_27, %add3A_38 : i32
        %add3A_40 = vector.broadcast %add3A_39 : i32 to vector<16xi32>
        %add3A_41 = arith.addi %mul3A_30, %add3A_40 : vector<16xi32>
        %gather3A_42 = tpu.vector_load_idx %arg4[%add3A_41] : memref<6400xi32, #tpu.memory_space<vmem>>[vector<16xi32>], vector<16xi32>,
        %add3A_43 = arith.constant 3 : i32
        %add3A_44 = arith.addi %mul3A_27, %add3A_43 : i32
        %add3A_45 = vector.broadcast %add3A_44 : i32 to vector<16xi32>
        %add3A_46 = arith.addi %mul3A_30, %add3A_45 : vector<16xi32>
        %gather3A_47 = tpu.vector_load_idx %arg4[%add3A_46] : memref<6400xi32, #tpu.memory_space<vmem>>[vector<16xi32>], vector<16xi32>,
        %add3A_48 = arith.constant 1 : i32
        %add3A_49 = vector.broadcast %add3A_48 : i32 to vector<16xi32>
        %add3A_50 = arith.addi %gather3A_37, %add3A_49 : vector<16xi32>
        %mul3A_51 = arith.constant 40 : i32
        %mul3A_52 = vector.broadcast %mul3A_51 : i32 to vector<16xi32>
        %mul3A_53 = arith.muli %add3A_50, %mul3A_52 : vector<16xi32>
        %add3A_54 = arith.addi %mul3A_53, %gather3A : vector<16xi32>
        %mul3A_55 = arith.constant 1764 : i32
        %mul3A_56 = vector.broadcast %mul3A_55 : i32 to vector<16xi32>
        %mul3A_57 = arith.muli %add3A_54, %mul3A_56 : vector<16xi32>
        %add3A_58 = arith.constant 1 : i32
        %add3A_59 = vector.broadcast %add3A_58 : i32 to vector<16xi32>
        %add3A_60 = arith.addi %gather3A_42, %add3A_59 : vector<16xi32>
        %mul3A_61 = arith.constant 42 : i32
        %mul3A_62 = vector.broadcast %mul3A_61 : i32 to vector<16xi32>
        %mul3A_63 = arith.muli %add3A_60, %mul3A_62 : vector<16xi32>
        %add3A_64 = arith.addi %mul3A_57, %mul3A_63 : vector<16xi32>
        %add3A_65 = arith.constant 1 : i32
        %add3A_66 = vector.broadcast %add3A_65 : i32 to vector<16xi32>
        %add3A_67 = arith.addi %gather3A_47, %add3A_66 : vector<16xi32>
        %add3A_68 = arith.addi %add3A_64, %add3A_67 : vector<16xi32>
        %mul3A_69 = arith.constant 16 : i32
        %mul3A_70 = arith.muli %scan3A_24, %mul3A_69 : i32
        %swap3A = arith.index_cast %mul3A_70 : i32 to index
        %swap3A_71 = tpu.vector_load %arg5[%swap3A] {strides = array<i32>} : memref<1600xi32, #tpu.memory_space<vmem>>, vector<16xi32>,
        tpu.vector_store %arg5[%swap3A], %add3A_68 {strides = array<i32>} : memref<1600xi32, #tpu.memory_space<vmem>>, vector<16xi32>,
        %scan3A_72 = arith.constant 0 : i32
        scf.yield %scan3A_72 : i32
      }
      %scan3A_22 = arith.constant 100 : i32
      "tpu.region"() ({
        %run_scoped3A = tpu.sem_alloc : memref<!tpu.dma_semaphore, #tpu.memory_space<semaphore_mem>>
        %dma_start3A = tpu.memref_slice %arg3[%add3A_13] : memref<204800xi32, #tpu.memory_space<hbm>> -> memref<1600xi32, #tpu.memory_space<hbm>>
        %dma_start3A_24 = tpu.memref_slice %arg3[%add3A_13] : memref<204800xi32, #tpu.memory_space<hbm>> -> memref<1600xi32, #tpu.memory_space<hbm>>
        tpu.enqueue_dma source(%arg5 : memref<1600xi32, #tpu.memory_space<vmem>>) target(%dma_start3A_24 : memref<1600xi32, #tpu.memory_space<hbm>>) target_semaphore(%run_scoped3A : memref<!tpu.dma_semaphore, #tpu.memory_space<semaphore_mem>>)
        %dma_wait3A = tpu.memref_slice %arg3[%add3A_13] : memref<204800xi32, #tpu.memory_space<hbm>> -> memref<1600xi32, #tpu.memory_space<hbm>>
        %dma_wait3A_25 = tpu.memref_slice %arg3[%add3A_13] : memref<204800xi32, #tpu.memory_space<hbm>> -> memref<1600xi32, #tpu.memory_space<hbm>>
        tpu.wait_dma2 semaphore(%run_scoped3A : memref<!tpu.dma_semaphore, #tpu.memory_space<semaphore_mem>>) src(%arg5 : memref<1600xi32, #tpu.memory_space<vmem>>) dst(%dma_wait3A_25 : memref<1600xi32, #tpu.memory_space<hbm>>)
        tpu.yield
      }) : () -> ()
      %scan3A_23 = arith.constant 0 : i32
      scf.yield %scan3A_23 : i32
    }
    %scan3A_6 = arith.constant 4 : i32
    return
  }
}

#map = affine_map<(d0, d1) -> (0)>
module attributes {stable_mosaic.version = 14 : i64} {
  func.func @grid_kernel(%arg0: i32, %arg1: i32, %arg2: memref<204800xi32, #tpu.memory_space<hbm>>, %arg3: memref<200000xi32, #tpu.memory_space<hbm>>, %arg4: memref<3036160xi32, #tpu.memory_space<hbm>>, %arg5: memref<94880xi32, #tpu.memory_space<vmem>>, %arg6: memref<2000xi32, #tpu.memory_space<vmem>>, %arg7: memref<2000xi32, #tpu.memory_space<vmem>>) attributes {dimension_semantics = [#tpu.dimension_semantics<core_parallel>, #tpu.dimension_semantics<subcore_parallel>], iteration_bounds = array<i64: 2, 16>, scalar_prefetch = 0 : i64, scratch_operands = 3 : i64, tpu.core_type = #tpu.core_type<sc_vector_subcore>, window_params = [{transform_indices = #map}, {transform_indices = #map}, {transform_indices = #map}]} {
    %mul3A = arith.constant 2 : i32
    %mul3A_0 = arith.muli %arg1, %mul3A : i32
    %add3A = arith.addi %mul3A_0, %arg0 : i32
    %mul3A_1 = arith.constant 94880 : i32
    %mul3A_2 = arith.muli %add3A, %mul3A_1 : i32
    %scan3A = arith.constant 0 : i32
    %scan3A_3 = arith.constant 0 : i32
    %scan3A_4 = arith.constant 5930 : i32
    %scan3A_5 = arith.addi %scan3A_3, %scan3A_4 : i32
    %scan3A_6 = arith.constant 1 : i32
    %scan3A_7 = scf.for %scan3A_16 = %scan3A_3 to %scan3A_5 step %scan3A_6 iter_args(%scan3A_17 = %scan3A) -> (i32)  : i32 {
      %broadcast_in_dim3A = arith.constant 5400000 : i32
      %broadcast_in_dim3A_18 = vector.broadcast %broadcast_in_dim3A : i32 to vector<16xi32>
      %mul3A_19 = arith.constant 16 : i32
      %mul3A_20 = arith.muli %scan3A_16, %mul3A_19 : i32
      %swap3A = arith.index_cast %mul3A_20 : i32 to index
      %swap3A_21 = tpu.vector_load %arg5[%swap3A] {strides = array<i32>} : memref<94880xi32, #tpu.memory_space<vmem>>, vector<16xi32>,
      tpu.vector_store %arg5[%swap3A], %broadcast_in_dim3A_18 {strides = array<i32>} : memref<94880xi32, #tpu.memory_space<vmem>>, vector<16xi32>,
      %scan3A_22 = arith.constant 0 : i32
      scf.yield %scan3A_22 : i32
    }
    %scan3A_8 = arith.constant 5930 : i32
    %scan3A_9 = arith.constant 0 : i32
    %scan3A_10 = arith.constant 0 : i32
    %scan3A_11 = arith.constant 100 : i32
    %scan3A_12 = arith.addi %scan3A_10, %scan3A_11 : i32
    %scan3A_13 = arith.constant 1 : i32
    %scan3A_14 = scf.for %scan3A_16 = %scan3A_10 to %scan3A_12 step %scan3A_13 iter_args(%scan3A_17 = %scan3A_9) -> (i32)  : i32 {
      %mul3A_18 = arith.constant 2000 : i32
      %mul3A_19 = arith.muli %scan3A_16, %mul3A_18 : i32
      "tpu.region"() ({
        %run_scoped3A = tpu.sem_alloc : memref<!tpu.dma_semaphore, #tpu.memory_space<semaphore_mem>>
        %dma_start3A = tpu.memref_slice %arg2[%mul3A_19] : memref<204800xi32, #tpu.memory_space<hbm>> -> memref<2000xi32, #tpu.memory_space<hbm>>
        %dma_start3A_30 = tpu.memref_slice %arg2[%mul3A_19] : memref<204800xi32, #tpu.memory_space<hbm>> -> memref<2000xi32, #tpu.memory_space<hbm>>
        tpu.enqueue_dma source(%dma_start3A_30 : memref<2000xi32, #tpu.memory_space<hbm>>) target(%arg6 : memref<2000xi32, #tpu.memory_space<vmem>>) target_semaphore(%run_scoped3A : memref<!tpu.dma_semaphore, #tpu.memory_space<semaphore_mem>>)
        %dma_wait3A = tpu.memref_slice %arg2[%mul3A_19] : memref<204800xi32, #tpu.memory_space<hbm>> -> memref<2000xi32, #tpu.memory_space<hbm>>
        %dma_wait3A_31 = tpu.memref_slice %arg2[%mul3A_19] : memref<204800xi32, #tpu.memory_space<hbm>> -> memref<2000xi32, #tpu.memory_space<hbm>>
        tpu.wait_dma2 semaphore(%run_scoped3A : memref<!tpu.dma_semaphore, #tpu.memory_space<semaphore_mem>>) src(%dma_wait3A_31 : memref<2000xi32, #tpu.memory_space<hbm>>) dst(%arg6 : memref<2000xi32, #tpu.memory_space<vmem>>)
        tpu.yield
      }) : () -> ()
      %mul3A_20 = arith.constant 2000 : i32
      %mul3A_21 = arith.muli %scan3A_16, %mul3A_20 : i32
      "tpu.region"() ({
        %run_scoped3A = tpu.sem_alloc : memref<!tpu.dma_semaphore, #tpu.memory_space<semaphore_mem>>
        %dma_start3A = tpu.memref_slice %arg3[%mul3A_21] : memref<200000xi32, #tpu.memory_space<hbm>> -> memref<2000xi32, #tpu.memory_space<hbm>>
        %dma_start3A_30 = tpu.memref_slice %arg3[%mul3A_21] : memref<200000xi32, #tpu.memory_space<hbm>> -> memref<2000xi32, #tpu.memory_space<hbm>>
        tpu.enqueue_dma source(%dma_start3A_30 : memref<2000xi32, #tpu.memory_space<hbm>>) target(%arg7 : memref<2000xi32, #tpu.memory_space<vmem>>) target_semaphore(%run_scoped3A : memref<!tpu.dma_semaphore, #tpu.memory_space<semaphore_mem>>)
        %dma_wait3A = tpu.memref_slice %arg3[%mul3A_21] : memref<200000xi32, #tpu.memory_space<hbm>> -> memref<2000xi32, #tpu.memory_space<hbm>>
        %dma_wait3A_31 = tpu.memref_slice %arg3[%mul3A_21] : memref<200000xi32, #tpu.memory_space<hbm>> -> memref<2000xi32, #tpu.memory_space<hbm>>
        tpu.wait_dma2 semaphore(%run_scoped3A : memref<!tpu.dma_semaphore, #tpu.memory_space<semaphore_mem>>) src(%dma_wait3A_31 : memref<2000xi32, #tpu.memory_space<hbm>>) dst(%arg7 : memref<2000xi32, #tpu.memory_space<vmem>>)
        tpu.yield
      }) : () -> ()
      %scan3A_22 = arith.constant 0 : i32
      %scan3A_23 = arith.constant 0 : i32
      %scan3A_24 = arith.constant 125 : i32
      %scan3A_25 = arith.addi %scan3A_23, %scan3A_24 : i32
      %scan3A_26 = arith.constant 1 : i32
      %scan3A_27 = scf.for %scan3A_30 = %scan3A_23 to %scan3A_25 step %scan3A_26 iter_args(%scan3A_31 = %scan3A_22) -> (i32)  : i32 {
        %mul3A_32 = arith.constant 16 : i32
        %mul3A_33 = arith.muli %scan3A_30, %mul3A_32 : i32
        %get3A = arith.index_cast %mul3A_33 : i32 to index
        %get3A_34 = tpu.vector_load %arg6[%get3A] {strides = array<i32>} : memref<2000xi32, #tpu.memory_space<vmem>>, vector<16xi32>,
        %mul3A_35 = arith.constant 16 : i32
        %mul3A_36 = arith.muli %scan3A_30, %mul3A_35 : i32
        %get3A_37 = arith.index_cast %mul3A_36 : i32 to index
        %get3A_38 = tpu.vector_load %arg7[%get3A_37] {strides = array<i32>} : memref<2000xi32, #tpu.memory_space<vmem>>, vector<16xi32>,
        %ge3A = vector.broadcast %mul3A_2 : i32 to vector<16xi32>
        %ge3A_39 = arith.cmpi sge, %get3A_34, %ge3A : vector<16xi32>
        %add3A_40 = arith.constant 94880 : i32
        %add3A_41 = arith.addi %mul3A_2, %add3A_40 : i32
        %lt3A = vector.broadcast %add3A_41 : i32 to vector<16xi32>
        %lt3A_42 = arith.cmpi slt, %get3A_34, %lt3A : vector<16xi32>
        %and3A = arith.andi %ge3A_39, %lt3A_42 : vector<16xi1>
        %sub3A = vector.broadcast %mul3A_2 : i32 to vector<16xi32>
        %sub3A_43 = arith.subi %get3A_34, %sub3A : vector<16xi32>
        %jit3A = arith.constant 0 : i32
        %jit3A_44 = arith.constant 94879 : i32
        %max3A = vector.broadcast %jit3A : i32 to vector<16xi32>
        %max3A_45 = arith.maxsi %max3A, %sub3A_43 : vector<16xi32>
        %min3A = vector.broadcast %jit3A_44 : i32 to vector<16xi32>
        %min3A_46 = arith.minsi %min3A, %max3A_45 : vector<16xi32>
        tpu.vector_store_idx %arg5[%min3A_46], %get3A_38 masked %and3A : memref<94880xi32, #tpu.memory_space<vmem>>[vector<16xi32>], vector<16xi32>, vector<16xi1>
        %scan3A_47 = arith.constant 0 : i32
        scf.yield %scan3A_47 : i32
      }
      %scan3A_28 = arith.constant 125 : i32
      %scan3A_29 = arith.constant 0 : i32
      scf.yield %scan3A_29 : i32
    }
    %scan3A_15 = arith.constant 100 : i32
    "tpu.region"() ({
      %run_scoped3A = tpu.sem_alloc : memref<!tpu.dma_semaphore, #tpu.memory_space<semaphore_mem>>
      %dma_start3A = tpu.memref_slice %arg4[%mul3A_2] : memref<3036160xi32, #tpu.memory_space<hbm>> -> memref<94880xi32, #tpu.memory_space<hbm>>
      %dma_start3A_16 = tpu.memref_slice %arg4[%mul3A_2] : memref<3036160xi32, #tpu.memory_space<hbm>> -> memref<94880xi32, #tpu.memory_space<hbm>>
      tpu.enqueue_dma source(%arg5 : memref<94880xi32, #tpu.memory_space<vmem>>) target(%dma_start3A_16 : memref<94880xi32, #tpu.memory_space<hbm>>) target_semaphore(%run_scoped3A : memref<!tpu.dma_semaphore, #tpu.memory_space<semaphore_mem>>)
      %dma_wait3A = tpu.memref_slice %arg4[%mul3A_2] : memref<3036160xi32, #tpu.memory_space<hbm>> -> memref<94880xi32, #tpu.memory_space<hbm>>
      %dma_wait3A_17 = tpu.memref_slice %arg4[%mul3A_2] : memref<3036160xi32, #tpu.memory_space<hbm>> -> memref<94880xi32, #tpu.memory_space<hbm>>
      tpu.wait_dma2 semaphore(%run_scoped3A : memref<!tpu.dma_semaphore, #tpu.memory_space<semaphore_mem>>) src(%arg5 : memref<94880xi32, #tpu.memory_space<vmem>>) dst(%dma_wait3A_17 : memref<94880xi32, #tpu.memory_space<hbm>>)
      tpu.yield
    }) : () -> ()
    return
  }
}

#map = affine_map<(d0, d1) -> (0)>
#map1 = affine_map<(d0, d1) -> (0, 0)>
module attributes {stable_mosaic.version = 14 : i64} {
  func.func @acc_kernel(%arg0: i32, %arg1: i32, %arg2: memref<204800xi32, #tpu.memory_space<hbm>>, %arg3: memref<3036160xi32, #tpu.memory_space<hbm>>, %arg4: memref<5529600x16xf32, #tpu.memory_space<hbm>>, %arg5: memref<204800x16xf32, #tpu.memory_space<hbm>>, %arg6: memref<1280xi32, #tpu.memory_space<vmem>>, %arg7: memref<34560xi32, #tpu.memory_space<vmem>>, %arg8: memref<34560xi32, #tpu.memory_space<vmem>>, %arg9: memref<1280x16xf32, #tpu.memory_space<vmem>>, %arg10: memref<!tpu.dma_semaphore, #tpu.memory_space<semaphore_mem>>) attributes {dimension_semantics = [#tpu.dimension_semantics<core_parallel>, #tpu.dimension_semantics<subcore_parallel>], iteration_bounds = array<i64: 2, 16>, scalar_prefetch = 0 : i64, scratch_operands = 5 : i64, tpu.core_type = #tpu.core_type<sc_vector_subcore>, window_params = [{transform_indices = #map}, {transform_indices = #map}, {transform_indices = #map1}, {transform_indices = #map1}]} {
    %mul3A = arith.constant 2 : i32
    %mul3A_0 = arith.muli %arg1, %mul3A : i32
    %add3A = arith.addi %mul3A_0, %arg0 : i32
    %scan3A = arith.constant 0 : i32
    %scan3A_1 = arith.constant 0 : i32
    %scan3A_2 = arith.constant 5 : i32
    %scan3A_3 = arith.addi %scan3A_1, %scan3A_2 : i32
    %scan3A_4 = arith.constant 1 : i32
    %scan3A_5 = scf.for %scan3A_7 = %scan3A_1 to %scan3A_3 step %scan3A_4 iter_args(%scan3A_8 = %scan3A) -> (i32)  : i32 {
      %mul3A_9 = arith.constant 6400 : i32
      %mul3A_10 = arith.muli %add3A, %mul3A_9 : i32
      %mul3A_11 = arith.constant 1280 : i32
      %mul3A_12 = arith.muli %scan3A_7, %mul3A_11 : i32
      %add3A_13 = arith.addi %mul3A_10, %mul3A_12 : i32
      "tpu.region"() ({
        %run_scoped3A = tpu.sem_alloc : memref<!tpu.dma_semaphore, #tpu.memory_space<semaphore_mem>>
        %dma_start3A_52 = tpu.memref_slice %arg2[%add3A_13] : memref<204800xi32, #tpu.memory_space<hbm>> -> memref<1280xi32, #tpu.memory_space<hbm>>
        %dma_start3A_53 = tpu.memref_slice %arg2[%add3A_13] : memref<204800xi32, #tpu.memory_space<hbm>> -> memref<1280xi32, #tpu.memory_space<hbm>>
        tpu.enqueue_dma source(%dma_start3A_53 : memref<1280xi32, #tpu.memory_space<hbm>>) target(%arg6 : memref<1280xi32, #tpu.memory_space<vmem>>) target_semaphore(%run_scoped3A : memref<!tpu.dma_semaphore, #tpu.memory_space<semaphore_mem>>)
        %dma_wait3A_54 = tpu.memref_slice %arg2[%add3A_13] : memref<204800xi32, #tpu.memory_space<hbm>> -> memref<1280xi32, #tpu.memory_space<hbm>>
        %dma_wait3A_55 = tpu.memref_slice %arg2[%add3A_13] : memref<204800xi32, #tpu.memory_space<hbm>> -> memref<1280xi32, #tpu.memory_space<hbm>>
        tpu.wait_dma2 semaphore(%run_scoped3A : memref<!tpu.dma_semaphore, #tpu.memory_space<semaphore_mem>>) src(%dma_wait3A_55 : memref<1280xi32, #tpu.memory_space<hbm>>) dst(%arg6 : memref<1280xi32, #tpu.memory_space<vmem>>)
        tpu.yield
      }) : () -> ()
      %scan3A_14 = arith.constant 0 : i32
      %scan3A_15 = arith.constant 0 : i32
      %scan3A_16 = arith.constant 1280 : i32
      %scan3A_17 = arith.addi %scan3A_15, %scan3A_16 : i32
      %scan3A_18 = arith.constant 1 : i32
      %scan3A_19 = scf.for %scan3A_52 = %scan3A_15 to %scan3A_17 step %scan3A_18 iter_args(%scan3A_53 = %scan3A_14) -> (i32)  : i32 {
        %broadcast_in_dim3A = arith.constant 0.000000e+00 : f32
        %broadcast_in_dim3A_54 = vector.broadcast %broadcast_in_dim3A : f32 to vector<16xf32>
        %swap3A = arith.index_cast %scan3A_52 : i32 to index
        %swap3A_55 = arith.constant 0 : index
        %swap3A_56 = tpu.vector_load %arg9[%swap3A, %swap3A_55] {strides = array<i32>} : memref<1280x16xf32, #tpu.memory_space<vmem>>, vector<16xf32>,
        tpu.vector_store %arg9[%swap3A, %swap3A_55], %broadcast_in_dim3A_54 {strides = array<i32>} : memref<1280x16xf32, #tpu.memory_space<vmem>>, vector<16xf32>,
        %scan3A_57 = arith.constant 0 : i32
        scf.yield %scan3A_57 : i32
      }
      %scan3A_20 = arith.constant 1280 : i32
      %scan3A_21 = arith.constant 0 : i32
      %scan3A_22 = arith.constant 0 : i32
      %scan3A_23 = arith.constant 27 : i32
      %scan3A_24 = arith.addi %scan3A_22, %scan3A_23 : i32
      %scan3A_25 = arith.constant 1 : i32
      %scan3A_26 = scf.for %scan3A_52 = %scan3A_22 to %scan3A_24 step %scan3A_25 iter_args(%scan3A_53 = %scan3A_21) -> (i32)  : i32 {
        %jit3A = arith.constant 9 : i32
        %div3A = arith.divsi %scan3A_52, %jit3A : i32
        %sign3A = arith.constant 0 : i32
        %sign3A_54 = arith.cmpi sgt, %scan3A_52, %sign3A : i32
        %sign3A_55 = arith.extui %sign3A_54 : i1 to i32
        %sign3A_56 = arith.constant 0 : i32
        %sign3A_57 = arith.cmpi slt, %scan3A_52, %sign3A_56 : i32
        %sign3A_58 = arith.extui %sign3A_57 : i1 to i32
        %sign3A_59 = arith.subi %sign3A_55, %sign3A_58 : i32
        %sign3A_60 = arith.constant 0 : i32
        %sign3A_61 = arith.cmpi sgt, %jit3A, %sign3A_60 : i32
        %sign3A_62 = arith.extui %sign3A_61 : i1 to i32
        %sign3A_63 = arith.constant 0 : i32
        %sign3A_64 = arith.cmpi slt, %jit3A, %sign3A_63 : i32
        %sign3A_65 = arith.extui %sign3A_64 : i1 to i32
        %sign3A_66 = arith.subi %sign3A_62, %sign3A_65 : i32
        %ne3A = arith.cmpi ne, %sign3A_59, %sign3A_66 : i32
        %rem3A = arith.remsi %scan3A_52, %jit3A : i32
        %ne3A_67 = arith.constant 0 : i32
        %ne3A_68 = arith.cmpi ne, %rem3A, %ne3A_67 : i32
        %and3A = arith.andi %ne3A, %ne3A_68 : i1
        %sub3A = arith.constant 1 : i32
        %sub3A_69 = arith.subi %div3A, %sub3A : i32
        %select_n3A = arith.select %and3A, %sub3A_69, %div3A : i32
        %sub3A_70 = arith.constant 1 : i32
        %sub3A_71 = arith.subi %select_n3A, %sub3A_70 : i32
        %jit3A_72 = arith.constant 3 : i32
        %div3A_73 = arith.divsi %scan3A_52, %jit3A_72 : i32
        %sign3A_74 = arith.constant 0 : i32
        %sign3A_75 = arith.cmpi sgt, %scan3A_52, %sign3A_74 : i32
        %sign3A_76 = arith.extui %sign3A_75 : i1 to i32
        %sign3A_77 = arith.constant 0 : i32
        %sign3A_78 = arith.cmpi slt, %scan3A_52, %sign3A_77 : i32
        %sign3A_79 = arith.extui %sign3A_78 : i1 to i32
        %sign3A_80 = arith.subi %sign3A_76, %sign3A_79 : i32
        %sign3A_81 = arith.constant 0 : i32
        %sign3A_82 = arith.cmpi sgt, %jit3A_72, %sign3A_81 : i32
        %sign3A_83 = arith.extui %sign3A_82 : i1 to i32
        %sign3A_84 = arith.constant 0 : i32
        %sign3A_85 = arith.cmpi slt, %jit3A_72, %sign3A_84 : i32
        %sign3A_86 = arith.extui %sign3A_85 : i1 to i32
        %sign3A_87 = arith.subi %sign3A_83, %sign3A_86 : i32
        %ne3A_88 = arith.cmpi ne, %sign3A_80, %sign3A_87 : i32
        %rem3A_89 = arith.remsi %scan3A_52, %jit3A_72 : i32
        %ne3A_90 = arith.constant 0 : i32
        %ne3A_91 = arith.cmpi ne, %rem3A_89, %ne3A_90 : i32
        %and3A_92 = arith.andi %ne3A_88, %ne3A_91 : i1
        %sub3A_93 = arith.constant 1 : i32
        %sub3A_94 = arith.subi %div3A_73, %sub3A_93 : i32
        %select_n3A_95 = arith.select %and3A_92, %sub3A_94, %div3A_73 : i32
        %jit3A_96 = arith.constant 3 : i32
        %eq3A = arith.constant 0 : i32
        %eq3A_97 = arith.cmpi eq, %jit3A_96, %eq3A : i32
        %jit3A_98 = arith.constant 1 : i32
        %select_n3A_99 = arith.select %eq3A_97, %jit3A_98, %jit3A_96 : i32
        %rem3A_100 = arith.remsi %select_n3A_95, %select_n3A_99 : i32
        %ne3A_101 = arith.constant 0 : i32
        %ne3A_102 = arith.cmpi ne, %rem3A_100, %ne3A_101 : i32
        %lt3A = arith.constant 0 : i32
        %lt3A_103 = arith.cmpi slt, %rem3A_100, %lt3A : i32
        %lt3A_104 = arith.constant 0 : i32
        %lt3A_105 = arith.cmpi slt, %select_n3A_99, %lt3A_104 : i32
        %ne3A_106 = arith.xori %lt3A_103, %lt3A_105 : i1
        %and3A_107 = arith.andi %ne3A_106, %ne3A_102 : i1
        %add3A_108 = arith.addi %rem3A_100, %select_n3A_99 : i32
        %select_n3A_109 = arith.select %and3A_107, %add3A_108, %rem3A_100 : i32
        %sub3A_110 = arith.constant 1 : i32
        %sub3A_111 = arith.subi %select_n3A_109, %sub3A_110 : i32
        %jit3A_112 = arith.constant 3 : i32
        %eq3A_113 = arith.constant 0 : i32
        %eq3A_114 = arith.cmpi eq, %jit3A_112, %eq3A_113 : i32
        %jit3A_115 = arith.constant 1 : i32
        %select_n3A_116 = arith.select %eq3A_114, %jit3A_115, %jit3A_112 : i32
        %rem3A_117 = arith.remsi %scan3A_52, %select_n3A_116 : i32
        %ne3A_118 = arith.constant 0 : i32
        %ne3A_119 = arith.cmpi ne, %rem3A_117, %ne3A_118 : i32
        %lt3A_120 = arith.constant 0 : i32
        %lt3A_121 = arith.cmpi slt, %rem3A_117, %lt3A_120 : i32
        %lt3A_122 = arith.constant 0 : i32
        %lt3A_123 = arith.cmpi slt, %select_n3A_116, %lt3A_122 : i32
        %ne3A_124 = arith.xori %lt3A_121, %lt3A_123 : i1
        %and3A_125 = arith.andi %ne3A_124, %ne3A_119 : i1
        %add3A_126 = arith.addi %rem3A_117, %select_n3A_116 : i32
        %select_n3A_127 = arith.select %and3A_125, %add3A_126, %rem3A_117 : i32
        %sub3A_128 = arith.constant 1 : i32
        %sub3A_129 = arith.subi %select_n3A_127, %sub3A_128 : i32
        %mul3A_130 = arith.constant 70560 : i32
        %mul3A_131 = arith.muli %sub3A_71, %mul3A_130 : i32
        %mul3A_132 = arith.constant 42 : i32
        %mul3A_133 = arith.muli %sub3A_111, %mul3A_132 : i32
        %add3A_134 = arith.addi %mul3A_131, %mul3A_133 : i32
        %add3A_135 = arith.addi %add3A_134, %sub3A_129 : i32
        %scan3A_136 = arith.constant 0 : i32
        %scan3A_137 = arith.constant 0 : i32
        %scan3A_138 = arith.constant 80 : i32
        %scan3A_139 = arith.addi %scan3A_137, %scan3A_138 : i32
        %scan3A_140 = arith.constant 1 : i32
        %scan3A_141 = scf.for %scan3A_144 = %scan3A_137 to %scan3A_139 step %scan3A_140 iter_args(%scan3A_145 = %scan3A_136) -> (i32)  : i32 {
          %mul3A_146 = arith.constant 16 : i32
          %mul3A_147 = arith.muli %scan3A_144, %mul3A_146 : i32
          %get3A = arith.index_cast %mul3A_147 : i32 to index
          %get3A_148 = tpu.vector_load %arg6[%get3A] {strides = array<i32>} : memref<1280xi32, #tpu.memory_space<vmem>>, vector<16xi32>,
          %add3A_149 = vector.broadcast %add3A_135 : i32 to vector<16xi32>
          %add3A_150 = arith.addi %get3A_148, %add3A_149 : vector<16xi32>
          %mul3A_151 = arith.constant 1280 : i32
          %mul3A_152 = arith.muli %scan3A_52, %mul3A_151 : i32
          %mul3A_153 = arith.constant 16 : i32
          %mul3A_154 = arith.muli %scan3A_144, %mul3A_153 : i32
          %add3A_155 = arith.addi %mul3A_152, %mul3A_154 : i32
          %swap3A = arith.index_cast %add3A_155 : i32 to index
          %swap3A_156 = tpu.vector_load %arg7[%swap3A] {strides = array<i32>} : memref<34560xi32, #tpu.memory_space<vmem>>, vector<16xi32>,
          tpu.vector_store %arg7[%swap3A], %add3A_150 {strides = array<i32>} : memref<34560xi32, #tpu.memory_space<vmem>>, vector<16xi32>,
          %scan3A_157 = arith.constant 0 : i32
          scf.yield %scan3A_157 : i32
        }
        %scan3A_142 = arith.constant 80 : i32
        %scan3A_143 = arith.constant 0 : i32
        scf.yield %scan3A_143 : i32
      }
      %scan3A_27 = arith.constant 27 : i32
      %dma_start3A = arith.constant 0 : i32
      %dma_start3A_28 = tpu.memref_slice %arg3[%dma_start3A] : memref<3036160xi32, #tpu.memory_space<hbm>> -> memref<3036160xi32, #tpu.memory_space<hbm>>
      tpu.enqueue_indirect_dma source(%dma_start3A_28 : memref<3036160xi32, #tpu.memory_space<hbm>>) target(%arg8 : memref<34560xi32, #tpu.memory_space<vmem>>) offsets(%arg7 : memref<34560xi32, #tpu.memory_space<vmem>>) semaphore(%arg10 : memref<!tpu.dma_semaphore, #tpu.memory_space<semaphore_mem>>)
      %dma_wait3A = arith.constant 0 : i32
      %dma_wait3A_29 = tpu.memref_slice %arg3[%dma_wait3A] : memref<3036160xi32, #tpu.memory_space<hbm>> -> memref<3036160xi32, #tpu.memory_space<hbm>>
      tpu.wait_indirect_dma semaphore(%arg10 : memref<!tpu.dma_semaphore, #tpu.memory_space<semaphore_mem>>) src(%dma_wait3A_29 : memref<3036160xi32, #tpu.memory_space<hbm>>) dst(%arg8 : memref<34560xi32, #tpu.memory_space<vmem>>)
      %scan3A_30 = arith.constant 0 : i32
      %scan3A_31 = arith.constant 0 : i32
      %scan3A_32 = arith.constant 27 : i32
      %scan3A_33 = arith.addi %scan3A_31, %scan3A_32 : i32
      %scan3A_34 = arith.constant 1 : i32
      %scan3A_35 = scf.for %scan3A_52 = %scan3A_31 to %scan3A_33 step %scan3A_34 iter_args(%scan3A_53 = %scan3A_30) -> (i32)  : i32 {
        %scan3A_54 = arith.constant 0 : i32
        %scan3A_55 = arith.constant 0 : i32
        %scan3A_56 = arith.constant 80 : i32
        %scan3A_57 = arith.addi %scan3A_55, %scan3A_56 : i32
        %scan3A_58 = arith.constant 1 : i32
        %scan3A_59 = scf.for %scan3A_62 = %scan3A_55 to %scan3A_57 step %scan3A_58 iter_args(%scan3A_63 = %scan3A_54) -> (i32)  : i32 {
          %mul3A_64 = arith.constant 1280 : i32
          %mul3A_65 = arith.muli %scan3A_52, %mul3A_64 : i32
          %mul3A_66 = arith.constant 16 : i32
          %mul3A_67 = arith.muli %scan3A_62, %mul3A_66 : i32
          %add3A_68 = arith.addi %mul3A_65, %mul3A_67 : i32
          %get3A = arith.index_cast %add3A_68 : i32 to index
          %get3A_69 = tpu.vector_load %arg8[%get3A] {strides = array<i32>} : memref<34560xi32, #tpu.memory_space<vmem>>, vector<16xi32>,
          %mul3A_70 = arith.constant 128 : i32
          %mul3A_71 = arith.muli %add3A, %mul3A_70 : i32
          %mul3A_72 = arith.constant 37 : i32
          %mul3A_73 = arith.muli %scan3A_7, %mul3A_72 : i32
          %add3A_74 = arith.addi %mul3A_71, %mul3A_73 : i32
          %mul3A_75 = arith.constant 16 : i32
          %mul3A_76 = arith.muli %scan3A_62, %mul3A_75 : i32
          %add3A_77 = arith.addi %add3A_74, %mul3A_76 : i32
          %iota3A = tpu.iota {dimensions = array<i32: 0>} : vector<16xi32>
          %add3A_78 = vector.broadcast %add3A_77 : i32 to vector<16xi32>
          %add3A_79 = arith.addi %add3A_78, %iota3A : vector<16xi32>
          %and3A = arith.constant 4095 : i32
          %and3A_80 = vector.broadcast %and3A : i32 to vector<16xi32>
          %and3A_81 = arith.andi %add3A_79, %and3A_80 : vector<16xi32>
          %add3A_82 = arith.constant 200000 : i32
          %add3A_83 = vector.broadcast %add3A_82 : i32 to vector<16xi32>
          %add3A_84 = arith.addi %add3A_83, %and3A_81 : vector<16xi32>
          %mul3A_85 = arith.constant 27 : i32
          %mul3A_86 = vector.broadcast %mul3A_85 : i32 to vector<16xi32>
          %mul3A_87 = arith.muli %add3A_84, %mul3A_86 : vector<16xi32>
          %add3A_88 = vector.broadcast %scan3A_52 : i32 to vector<16xi32>
          %add3A_89 = arith.addi %mul3A_87, %add3A_88 : vector<16xi32>
          %lt3A = arith.constant 5400000 : i32
          %lt3A_90 = vector.broadcast %lt3A : i32 to vector<16xi32>
          %lt3A_91 = arith.cmpi slt, %get3A_69, %lt3A_90 : vector<16xi32>
          %add3A_92 = vector.broadcast %scan3A_52 : i32 to vector<16xi32>
          %add3A_93 = arith.addi %get3A_69, %add3A_92 : vector<16xi32>
          %select_n3A = arith.select %lt3A_91, %add3A_93, %add3A_89 : vector<16xi1>, vector<16xi32>
          %mul3A_94 = arith.constant 1280 : i32
          %mul3A_95 = arith.muli %scan3A_52, %mul3A_94 : i32
          %mul3A_96 = arith.constant 16 : i32
          %mul3A_97 = arith.muli %scan3A_62, %mul3A_96 : i32
          %add3A_98 = arith.addi %mul3A_95, %mul3A_97 : i32
          %swap3A = arith.index_cast %add3A_98 : i32 to index
          %swap3A_99 = tpu.vector_load %arg7[%swap3A] {strides = array<i32>} : memref<34560xi32, #tpu.memory_space<vmem>>, vector<16xi32>,
          tpu.vector_store %arg7[%swap3A], %select_n3A {strides = array<i32>} : memref<34560xi32, #tpu.memory_space<vmem>>, vector<16xi32>,
          %scan3A_100 = arith.constant 0 : i32
          scf.yield %scan3A_100 : i32
        }
        %scan3A_60 = arith.constant 80 : i32
        %scan3A_61 = arith.constant 0 : i32
        scf.yield %scan3A_61 : i32
      }
      %scan3A_36 = arith.constant 27 : i32
      %scan3A_37 = arith.constant 0 : i32
      %scan3A_38 = arith.constant 0 : i32
      %scan3A_39 = arith.constant 27 : i32
      %scan3A_40 = arith.addi %scan3A_38, %scan3A_39 : i32
      %scan3A_41 = arith.constant 1 : i32
      %scan3A_42 = scf.for %scan3A_52 = %scan3A_38 to %scan3A_40 step %scan3A_41 iter_args(%scan3A_53 = %scan3A_37) -> (i32)  : i32 {
        %mul3A_54 = arith.constant 1280 : i32
        %mul3A_55 = arith.muli %scan3A_52, %mul3A_54 : i32
        %dma_start3A_56 = tpu.memref_slice %arg7[%mul3A_55] : memref<34560xi32, #tpu.memory_space<vmem>> -> memref<1280xi32, #tpu.memory_space<vmem>>
        %dma_start3A_57 = arith.constant 0 : i32
        %dma_start3A_58 = arith.constant 0 : i32
        %dma_start3A_59 = tpu.memref_slice %arg4[%dma_start3A_57, %dma_start3A_58] : memref<5529600x16xf32, #tpu.memory_space<hbm>> -> memref<5529600x16xf32, #tpu.memory_space<hbm>>
        tpu.enqueue_indirect_dma source(%dma_start3A_59 : memref<5529600x16xf32, #tpu.memory_space<hbm>>) target(%arg9 : memref<1280x16xf32, #tpu.memory_space<vmem>>) offsets(%dma_start3A_56 : memref<1280xi32, #tpu.memory_space<vmem>>) semaphore(%arg10 : memref<!tpu.dma_semaphore, #tpu.memory_space<semaphore_mem>>) {add = true}
        %scan3A_60 = arith.constant 0 : i32
        scf.yield %scan3A_60 : i32
      }
      %scan3A_43 = arith.constant 27 : i32
      %scan3A_44 = arith.constant 0 : i32
      %scan3A_45 = arith.constant 0 : i32
      %scan3A_46 = arith.constant 27 : i32
      %scan3A_47 = arith.addi %scan3A_45, %scan3A_46 : i32
      %scan3A_48 = arith.constant 1 : i32
      %scan3A_49 = scf.for %scan3A_52 = %scan3A_45 to %scan3A_47 step %scan3A_48 iter_args(%scan3A_53 = %scan3A_44) -> (i32)  : i32 {
        %dma_wait3A_54 = arith.constant 0 : i32
        %dma_wait3A_55 = tpu.memref_slice %arg7[%dma_wait3A_54] : memref<34560xi32, #tpu.memory_space<vmem>> -> memref<1280xi32, #tpu.memory_space<vmem>>
        %dma_wait3A_56 = arith.constant 0 : i32
        %dma_wait3A_57 = arith.constant 0 : i32
        %dma_wait3A_58 = tpu.memref_slice %arg4[%dma_wait3A_56, %dma_wait3A_57] : memref<5529600x16xf32, #tpu.memory_space<hbm>> -> memref<5529600x16xf32, #tpu.memory_space<hbm>>
        tpu.wait_indirect_dma semaphore(%arg10 : memref<!tpu.dma_semaphore, #tpu.memory_space<semaphore_mem>>) src(%dma_wait3A_58 : memref<5529600x16xf32, #tpu.memory_space<hbm>>) dst(%arg9 : memref<1280x16xf32, #tpu.memory_space<vmem>>)
        %scan3A_59 = arith.constant 0 : i32
        scf.yield %scan3A_59 : i32
      }
      %scan3A_50 = arith.constant 27 : i32
      "tpu.region"() ({
        %run_scoped3A = tpu.sem_alloc : memref<!tpu.dma_semaphore, #tpu.memory_space<semaphore_mem>>
        %dma_start3A_52 = arith.constant 0 : i32
        %dma_start3A_53 = tpu.memref_slice %arg5[%add3A_13, %dma_start3A_52] : memref<204800x16xf32, #tpu.memory_space<hbm>> -> memref<1280x16xf32, #tpu.memory_space<hbm>>
        %dma_start3A_54 = arith.constant 0 : i32
        %dma_start3A_55 = tpu.memref_slice %arg5[%add3A_13, %dma_start3A_54] : memref<204800x16xf32, #tpu.memory_space<hbm>> -> memref<1280x16xf32, #tpu.memory_space<hbm>>
        tpu.enqueue_dma source(%arg9 : memref<1280x16xf32, #tpu.memory_space<vmem>>) target(%dma_start3A_55 : memref<1280x16xf32, #tpu.memory_space<hbm>>) target_semaphore(%run_scoped3A : memref<!tpu.dma_semaphore, #tpu.memory_space<semaphore_mem>>)
        %dma_wait3A_56 = arith.constant 0 : i32
        %dma_wait3A_57 = tpu.memref_slice %arg5[%add3A_13, %dma_wait3A_56] : memref<204800x16xf32, #tpu.memory_space<hbm>> -> memref<1280x16xf32, #tpu.memory_space<hbm>>
        %dma_wait3A_58 = arith.constant 0 : i32
        %dma_wait3A_59 = tpu.memref_slice %arg5[%add3A_13, %dma_wait3A_58] : memref<204800x16xf32, #tpu.memory_space<hbm>> -> memref<1280x16xf32, #tpu.memory_space<hbm>>
        tpu.wait_dma2 semaphore(%run_scoped3A : memref<!tpu.dma_semaphore, #tpu.memory_space<semaphore_mem>>) src(%arg9 : memref<1280x16xf32, #tpu.memory_space<vmem>>) dst(%dma_wait3A_59 : memref<1280x16xf32, #tpu.memory_space<hbm>>)
        tpu.yield
      }) : () -> ()
      %scan3A_51 = arith.constant 0 : i32
      scf.yield %scan3A_51 : i32
    }
    %scan3A_6 = arith.constant 5 : i32
    return
  }
}

module attributes {stable_mosaic.version = 14 : i64} {
  func.func @body(%arg0: i32, %arg1: memref<2048x3xf32, #tpu.memory_space<vmem>>, %arg2: memref<3x432xf32, #tpu.memory_space<vmem>>, %arg3: memref<2048x432xf32, #tpu.memory_space<vmem>>) attributes {dimension_semantics = [#tpu.dimension_semantics<arbitrary>], iteration_bounds = array<i64: 100>, scalar_prefetch = 0 : i64, scratch_operands = 0 : i64, tpu.core_type = #tpu.core_type<tc>, window_params = [{transform_indices = @transform_0, window_bounds = array<i64: 2048, 3>}, {pipeline_mode = #tpu.pipeline_mode<synchronous>, transform_indices = @transform_1, window_bounds = array<i64: 3, 432>}, {transform_indices = @transform_2, window_bounds = array<i64: 2048, 432>}]} {
    %get3A = arith.constant 0 : index
    %get3A_0 = arith.constant 0 : index
    %get3A_1 = vector.load %arg1[%get3A, %get3A_0] : memref<2048x3xf32, #tpu.memory_space<vmem>>, vector<2048x3xf32>
    %get3A_2 = arith.constant 0 : index
    %get3A_3 = arith.constant 0 : index
    %get3A_4 = vector.load %arg2[%get3A_2, %get3A_3] : memref<3x432xf32, #tpu.memory_space<vmem>>, vector<3x432xf32>
    %dot_general3A = arith.constant dense<0.000000e+00> : vector<2048x432xf32>
    %dot_general3A_5 = tpu.matmul %get3A_1, %get3A_4, %dot_general3A {dimension_numbers = #tpu.dot_dimension_numbers<[1], [0], [0], [1], [0, 0, 1, 1], [], []>, transpose_lhs_hint = false} : vector<2048x3xf32>, vector<3x432xf32>, vector<2048x432xf32> -> vector<2048x432xf32>
    %swap3A = arith.constant 0 : index
    %swap3A_6 = arith.constant 0 : index
    %swap3A_7 = vector.load %arg3[%swap3A, %swap3A_6] : memref<2048x432xf32, #tpu.memory_space<vmem>>, vector<2048x432xf32>
    tpu.vector_store %arg3[%swap3A, %swap3A_6], %dot_general3A_5 {strides = array<i32>} : memref<2048x432xf32, #tpu.memory_space<vmem>>, vector<2048x432xf32>,
    return
  }
  func.func @transform_0(%arg0: i32) -> (i32, i32) {
    %c0_i32 = arith.constant 0 : i32
    %c0_i32_0 = arith.constant 0 : i32
    return %arg0, %c0_i32 : i32, i32
  }
  func.func @transform_1(%arg0: i32) -> (i32, i32) {
    %c0_i32 = arith.constant 0 : i32
    %c0_i32_0 = arith.constant 0 : i32
    %c0_i32_1 = arith.constant 0 : i32
    return %c0_i32, %c0_i32_0 : i32, i32
  }
  func.func @transform_2(%arg0: i32) -> (i32, i32) {
    %c0_i32 = arith.constant 0 : i32
    %c0_i32_0 = arith.constant 0 : i32
    return %arg0, %c0_i32 : i32, i32
  }
}

module attributes {stable_mosaic.version = 14 : i64} {
  func.func @body(%arg0: i32, %arg1: memref<4096x16xf32, #tpu.memory_space<vmem>>, %arg2: memref<8x16xf32, #tpu.memory_space<vmem>>) attributes {dimension_semantics = [#tpu.dimension_semantics<arbitrary>], iteration_bounds = array<i64: 50>, scalar_prefetch = 0 : i64, scratch_operands = 0 : i64, tpu.core_type = #tpu.core_type<tc>, window_params = [{transform_indices = @transform_0, window_bounds = array<i64: 4096, 16>}, {pipeline_mode = #tpu.pipeline_mode<synchronous>, transform_indices = @transform_1, window_bounds = array<i64: 8, 16>}]} {
    %eq3A = arith.constant 0 : i32
    %eq3A_0 = arith.cmpi eq, %arg0, %eq3A : i32
    %convert_element_type3A = arith.extui %eq3A_0 : i1 to i32
    %cond3A = arith.constant 0 : i32
    %cond3A_1 = arith.cmpi ne, %convert_element_type3A, %cond3A : i32
    scf.if %cond3A_1 {
      %broadcast_in_dim3A_25 = arith.constant 0.000000e+00 : f32
      %broadcast_in_dim3A_26 = vector.broadcast %broadcast_in_dim3A_25 : f32 to vector<8x16xf32>
      %swap3A_27 = arith.constant 0 : index
      %swap3A_28 = arith.constant 0 : index
      %swap3A_29 = vector.load %arg2[%swap3A_27, %swap3A_28] : memref<8x16xf32, #tpu.memory_space<vmem>>, vector<8x16xf32>
      tpu.vector_store %arg2[%swap3A_27, %swap3A_28], %broadcast_in_dim3A_26 {strides = array<i32>} : memref<8x16xf32, #tpu.memory_space<vmem>>, vector<8x16xf32>,
    } else {
    }
    %get3A = arith.constant 0 : index
    %get3A_2 = arith.constant 0 : index
    %get3A_3 = vector.load %arg1[%get3A, %get3A_2] : memref<4096x16xf32, #tpu.memory_space<vmem>>, vector<4096x16xf32>
    %get3A_4 = arith.constant 0 : index
    %get3A_5 = arith.constant 0 : index
    %get3A_6 = vector.load %arg2[%get3A_4, %get3A_5] : memref<8x16xf32, #tpu.memory_space<vmem>>, vector<1x16xf32>
    %reduce_sum3A = arith.constant dense<0.000000e+00> : vector<16xf32>
    %reduce_sum3A_7 = vector.multi_reduction <add>, %get3A_3, %reduce_sum3A [0] : vector<4096x16xf32> to vector<16xf32>
    %broadcast_in_dim3A = vector.shape_cast %reduce_sum3A_7 : vector<16xf32> to vector<1x16xf32>
    %add3A = arith.addf %get3A_6, %broadcast_in_dim3A : vector<1x16xf32>
    %swap3A = arith.constant 0 : index
    %swap3A_8 = arith.constant 0 : index
    %swap3A_9 = vector.load %arg2[%swap3A, %swap3A_8] : memref<8x16xf32, #tpu.memory_space<vmem>>, vector<1x16xf32>
    tpu.vector_store %arg2[%swap3A, %swap3A_8], %add3A {strides = array<i32>} : memref<8x16xf32, #tpu.memory_space<vmem>>, vector<1x16xf32>,
    %get3A_10 = arith.constant 1 : index
    %get3A_11 = arith.constant 0 : index
    %get3A_12 = vector.load %arg2[%get3A_10, %get3A_11] : memref<8x16xf32, #tpu.memory_space<vmem>>, vector<1x16xf32>
    %mul3A = arith.mulf %get3A_3, %get3A_3 : vector<4096x16xf32>
    %reduce_sum3A_13 = arith.constant dense<0.000000e+00> : vector<16xf32>
    %reduce_sum3A_14 = vector.multi_reduction <add>, %mul3A, %reduce_sum3A_13 [0] : vector<4096x16xf32> to vector<16xf32>
    %broadcast_in_dim3A_15 = vector.shape_cast %reduce_sum3A_14 : vector<16xf32> to vector<1x16xf32>
    %add3A_16 = arith.addf %get3A_12, %broadcast_in_dim3A_15 : vector<1x16xf32>
    %swap3A_17 = arith.constant 1 : index
    %swap3A_18 = arith.constant 0 : index
    %swap3A_19 = vector.load %arg2[%swap3A_17, %swap3A_18] : memref<8x16xf32, #tpu.memory_space<vmem>>, vector<1x16xf32>
    tpu.vector_store %arg2[%swap3A_17, %swap3A_18], %add3A_16 {strides = array<i32>} : memref<8x16xf32, #tpu.memory_space<vmem>>, vector<1x16xf32>,
    %eq3A_20 = arith.constant 49 : i32
    %eq3A_21 = arith.cmpi eq, %arg0, %eq3A_20 : i32
    %convert_element_type3A_22 = arith.extui %eq3A_21 : i1 to i32
    %cond3A_23 = arith.constant 0 : i32
    %cond3A_24 = arith.cmpi ne, %convert_element_type3A_22, %cond3A_23 : i32
    scf.if %cond3A_24 {
      %get3A_25 = arith.constant 0 : index
      %get3A_26 = arith.constant 0 : index
      %get3A_27 = vector.load %arg2[%get3A_25, %get3A_26] : memref<8x16xf32, #tpu.memory_space<vmem>>, vector<1x16xf32>
      %mul3A_28 = arith.constant 5.000000e-06 : f32
      %mul3A_29 = vector.broadcast %mul3A_28 : f32 to vector<1x16xf32>
      %mul3A_30 = arith.mulf %get3A_27, %mul3A_29 : vector<1x16xf32>
      %get3A_31 = arith.constant 1 : index
      %get3A_32 = arith.constant 0 : index
      %get3A_33 = vector.load %arg2[%get3A_31, %get3A_32] : memref<8x16xf32, #tpu.memory_space<vmem>>, vector<1x16xf32>
      %mul3A_34 = arith.constant 5.000000e-06 : f32
      %mul3A_35 = vector.broadcast %mul3A_34 : f32 to vector<1x16xf32>
      %mul3A_36 = arith.mulf %get3A_33, %mul3A_35 : vector<1x16xf32>
      %mul3A_37 = arith.mulf %mul3A_30, %mul3A_30 : vector<1x16xf32>
      %sub3A = arith.subf %mul3A_36, %mul3A_37 : vector<1x16xf32>
      %swap3A_38 = arith.constant 0 : index
      %swap3A_39 = arith.constant 0 : index
      %swap3A_40 = vector.load %arg2[%swap3A_38, %swap3A_39] : memref<8x16xf32, #tpu.memory_space<vmem>>, vector<1x16xf32>
      tpu.vector_store %arg2[%swap3A_38, %swap3A_39], %mul3A_30 {strides = array<i32>} : memref<8x16xf32, #tpu.memory_space<vmem>>, vector<1x16xf32>,
      %swap3A_41 = arith.constant 1 : index
      %swap3A_42 = arith.constant 0 : index
      %swap3A_43 = vector.load %arg2[%swap3A_41, %swap3A_42] : memref<8x16xf32, #tpu.memory_space<vmem>>, vector<1x16xf32>
      tpu.vector_store %arg2[%swap3A_41, %swap3A_42], %sub3A {strides = array<i32>} : memref<8x16xf32, #tpu.memory_space<vmem>>, vector<1x16xf32>,
    } else {
    }
    return
  }
  func.func @transform_0(%arg0: i32) -> (i32, i32) {
    %c0_i32 = arith.constant 0 : i32
    %c0_i32_0 = arith.constant 0 : i32
    return %arg0, %c0_i32 : i32, i32
  }
  func.func @transform_1(%arg0: i32) -> (i32, i32) {
    %c0_i32 = arith.constant 0 : i32
    %c0_i32_0 = arith.constant 0 : i32
    %c0_i32_1 = arith.constant 0 : i32
    return %c0_i32, %c0_i32_0 : i32, i32
  }
}

module attributes {stable_mosaic.version = 14 : i64} {
  func.func @body(%arg0: i32, %arg1: memref<2048x16xf32, #tpu.memory_space<vmem>>, %arg2: memref<8x16xf32, #tpu.memory_space<vmem>>, %arg3: memref<8x16xf32, #tpu.memory_space<vmem>>, %arg4: memref<16x432xf32, #tpu.memory_space<vmem>>, %arg5: memref<2048x432xf32, #tpu.memory_space<vmem>>) attributes {dimension_semantics = [#tpu.dimension_semantics<arbitrary>], iteration_bounds = array<i64: 100>, scalar_prefetch = 0 : i64, scratch_operands = 0 : i64, tpu.core_type = #tpu.core_type<tc>, window_params = [{transform_indices = @transform_0, window_bounds = array<i64: 2048, 16>}, {pipeline_mode = #tpu.pipeline_mode<synchronous>, transform_indices = @transform_1, window_bounds = array<i64: 8, 16>}, {pipeline_mode = #tpu.pipeline_mode<synchronous>, transform_indices = @transform_2, window_bounds = array<i64: 8, 16>}, {pipeline_mode = #tpu.pipeline_mode<synchronous>, transform_indices = @transform_3, window_bounds = array<i64: 16, 432>}, {transform_indices = @transform_4, window_bounds = array<i64: 2048, 432>}]} {
    %get3A = arith.constant 0 : index
    %get3A_0 = arith.constant 0 : index
    %get3A_1 = vector.load %arg3[%get3A, %get3A_0] : memref<8x16xf32, #tpu.memory_space<vmem>>, vector<1x16xf32>
    %get3A_2 = arith.constant 1 : index
    %get3A_3 = arith.constant 0 : index
    %get3A_4 = vector.load %arg2[%get3A_2, %get3A_3] : memref<8x16xf32, #tpu.memory_space<vmem>>, vector<1x16xf32>
    %add3A = arith.constant 1.000000e-03 : f32
    %add3A_5 = vector.broadcast %add3A : f32 to vector<1x16xf32>
    %add3A_6 = arith.addf %get3A_4, %add3A_5 : vector<1x16xf32>
    %rsqrt3A = math.rsqrt %add3A_6 : vector<1x16xf32>
    %mul3A = arith.mulf %get3A_1, %rsqrt3A : vector<1x16xf32>
    %get3A_7 = arith.constant 1 : index
    %get3A_8 = arith.constant 0 : index
    %get3A_9 = vector.load %arg3[%get3A_7, %get3A_8] : memref<8x16xf32, #tpu.memory_space<vmem>>, vector<1x16xf32>
    %get3A_10 = arith.constant 0 : index
    %get3A_11 = arith.constant 0 : index
    %get3A_12 = vector.load %arg2[%get3A_10, %get3A_11] : memref<8x16xf32, #tpu.memory_space<vmem>>, vector<1x16xf32>
    %mul3A_13 = arith.mulf %get3A_12, %mul3A : vector<1x16xf32>
    %sub3A = arith.subf %get3A_9, %mul3A_13 : vector<1x16xf32>
    %get3A_14 = arith.constant 0 : index
    %get3A_15 = arith.constant 0 : index
    %get3A_16 = vector.load %arg1[%get3A_14, %get3A_15] : memref<2048x16xf32, #tpu.memory_space<vmem>>, vector<2048x16xf32>
    %mul3A_17 = vector.broadcast %mul3A : vector<1x16xf32> to vector<2048x16xf32>
    %mul3A_18 = arith.mulf %get3A_16, %mul3A_17 : vector<2048x16xf32>
    %add3A_19 = vector.broadcast %sub3A : vector<1x16xf32> to vector<2048x16xf32>
    %add3A_20 = arith.addf %mul3A_18, %add3A_19 : vector<2048x16xf32>
    %max3A = arith.constant 0.000000e+00 : f32
    %max3A_21 = vector.broadcast %max3A : f32 to vector<2048x16xf32>
    %max3A_22 = arith.maximumf %add3A_20, %max3A_21 : vector<2048x16xf32>
    %iota3A = tpu.iota {dimensions = array<i32: 0>} : vector<2048x1xi32>
    %mul3A_23 = arith.constant 2048 : i32
    %mul3A_24 = arith.muli %arg0, %mul3A_23 : i32
    %add3A_25 = vector.broadcast %mul3A_24 : i32 to vector<2048x1xi32>
    %add3A_26 = arith.addi %iota3A, %add3A_25 : vector<2048x1xi32>
    %lt3A = arith.constant 200000 : i32
    %lt3A_27 = vector.broadcast %lt3A : i32 to vector<2048x1xi32>
    %lt3A_28 = arith.cmpi slt, %add3A_26, %lt3A_27 : vector<2048x1xi32>
    %jit3A = arith.constant 0.000000e+00 : f32
    %broadcast_in_dim3A = vector.shape_cast %lt3A_28 : vector<2048x1xi1> to vector<2048x1xi1>
    %broadcast_in_dim3A_29 = vector.broadcast %broadcast_in_dim3A : vector<2048x1xi1> to vector<2048x16xi1>
    %broadcast_in_dim3A_30 = vector.broadcast %jit3A : f32 to vector<2048x16xf32>
    %select_n3A = arith.select %broadcast_in_dim3A_29, %max3A_22, %broadcast_in_dim3A_30 : vector<2048x16xi1>, vector<2048x16xf32>
    %get3A_31 = arith.constant 0 : index
    %get3A_32 = arith.constant 0 : index
    %get3A_33 = vector.load %arg4[%get3A_31, %get3A_32] : memref<16x432xf32, #tpu.memory_space<vmem>>, vector<16x432xf32>
    %dot_general3A = arith.constant dense<0.000000e+00> : vector<2048x432xf32>
    %dot_general3A_34 = tpu.matmul %select_n3A, %get3A_33, %dot_general3A {dimension_numbers = #tpu.dot_dimension_numbers<[1], [0], [0], [1], [0, 0, 1, 1], [], []>, transpose_lhs_hint = false} : vector<2048x16xf32>, vector<16x432xf32>, vector<2048x432xf32> -> vector<2048x432xf32>
    %swap3A = arith.constant 0 : index
    %swap3A_35 = arith.constant 0 : index
    %swap3A_36 = vector.load %arg5[%swap3A, %swap3A_35] : memref<2048x432xf32, #tpu.memory_space<vmem>>, vector<2048x432xf32>
    tpu.vector_store %arg5[%swap3A, %swap3A_35], %dot_general3A_34 {strides = array<i32>} : memref<2048x432xf32, #tpu.memory_space<vmem>>, vector<2048x432xf32>,
    return
  }
  func.func @transform_0(%arg0: i32) -> (i32, i32) {
    %c0_i32 = arith.constant 0 : i32
    %c0_i32_0 = arith.constant 0 : i32
    return %arg0, %c0_i32 : i32, i32
  }
  func.func @transform_1(%arg0: i32) -> (i32, i32) {
    %c0_i32 = arith.constant 0 : i32
    %c0_i32_0 = arith.constant 0 : i32
    %c0_i32_1 = arith.constant 0 : i32
    return %c0_i32, %c0_i32_0 : i32, i32
  }
  func.func @transform_2(%arg0: i32) -> (i32, i32) {
    %c0_i32 = arith.constant 0 : i32
    %c0_i32_0 = arith.constant 0 : i32
    %c0_i32_1 = arith.constant 0 : i32
    return %c0_i32, %c0_i32_0 : i32, i32
  }
  func.func @transform_3(%arg0: i32) -> (i32, i32) {
    %c0_i32 = arith.constant 0 : i32
    %c0_i32_0 = arith.constant 0 : i32
    %c0_i32_1 = arith.constant 0 : i32
    return %c0_i32, %c0_i32_0 : i32, i32
  }
  func.func @transform_4(%arg0: i32) -> (i32, i32) {
    %c0_i32 = arith.constant 0 : i32
    %c0_i32_0 = arith.constant 0 : i32
    return %arg0, %c0_i32 : i32, i32
  }
}

module attributes {stable_mosaic.version = 14 : i64} {
  func.func @body(%arg0: i32, %arg1: memref<4096x16xf32, #tpu.memory_space<vmem>>, %arg2: memref<8x16xf32, #tpu.memory_space<vmem>>, %arg3: memref<8x16xf32, #tpu.memory_space<vmem>>, %arg4: memref<4096x16xf32, #tpu.memory_space<vmem>>) attributes {dimension_semantics = [#tpu.dimension_semantics<arbitrary>], iteration_bounds = array<i64: 50>, scalar_prefetch = 0 : i64, scratch_operands = 0 : i64, tpu.core_type = #tpu.core_type<tc>, window_params = [{transform_indices = @transform_0, window_bounds = array<i64: 4096, 16>}, {pipeline_mode = #tpu.pipeline_mode<synchronous>, transform_indices = @transform_1, window_bounds = array<i64: 8, 16>}, {pipeline_mode = #tpu.pipeline_mode<synchronous>, transform_indices = @transform_2, window_bounds = array<i64: 8, 16>}, {transform_indices = @transform_3, window_bounds = array<i64: 4096, 16>}]} {
    %get3A = arith.constant 0 : index
    %get3A_0 = arith.constant 0 : index
    %get3A_1 = vector.load %arg3[%get3A, %get3A_0] : memref<8x16xf32, #tpu.memory_space<vmem>>, vector<1x16xf32>
    %get3A_2 = arith.constant 1 : index
    %get3A_3 = arith.constant 0 : index
    %get3A_4 = vector.load %arg2[%get3A_2, %get3A_3] : memref<8x16xf32, #tpu.memory_space<vmem>>, vector<1x16xf32>
    %add3A = arith.constant 1.000000e-03 : f32
    %add3A_5 = vector.broadcast %add3A : f32 to vector<1x16xf32>
    %add3A_6 = arith.addf %get3A_4, %add3A_5 : vector<1x16xf32>
    %rsqrt3A = math.rsqrt %add3A_6 : vector<1x16xf32>
    %mul3A = arith.mulf %get3A_1, %rsqrt3A : vector<1x16xf32>
    %get3A_7 = arith.constant 1 : index
    %get3A_8 = arith.constant 0 : index
    %get3A_9 = vector.load %arg3[%get3A_7, %get3A_8] : memref<8x16xf32, #tpu.memory_space<vmem>>, vector<1x16xf32>
    %get3A_10 = arith.constant 0 : index
    %get3A_11 = arith.constant 0 : index
    %get3A_12 = vector.load %arg2[%get3A_10, %get3A_11] : memref<8x16xf32, #tpu.memory_space<vmem>>, vector<1x16xf32>
    %mul3A_13 = arith.mulf %get3A_12, %mul3A : vector<1x16xf32>
    %sub3A = arith.subf %get3A_9, %mul3A_13 : vector<1x16xf32>
    %get3A_14 = arith.constant 0 : index
    %get3A_15 = arith.constant 0 : index
    %get3A_16 = vector.load %arg1[%get3A_14, %get3A_15] : memref<4096x16xf32, #tpu.memory_space<vmem>>, vector<4096x16xf32>
    %mul3A_17 = vector.broadcast %mul3A : vector<1x16xf32> to vector<4096x16xf32>
    %mul3A_18 = arith.mulf %get3A_16, %mul3A_17 : vector<4096x16xf32>
    %add3A_19 = vector.broadcast %sub3A : vector<1x16xf32> to vector<4096x16xf32>
    %add3A_20 = arith.addf %mul3A_18, %add3A_19 : vector<4096x16xf32>
    %max3A = arith.constant 0.000000e+00 : f32
    %max3A_21 = vector.broadcast %max3A : f32 to vector<4096x16xf32>
    %max3A_22 = arith.maximumf %add3A_20, %max3A_21 : vector<4096x16xf32>
    %swap3A = arith.constant 0 : index
    %swap3A_23 = arith.constant 0 : index
    %swap3A_24 = vector.load %arg4[%swap3A, %swap3A_23] : memref<4096x16xf32, #tpu.memory_space<vmem>>, vector<4096x16xf32>
    tpu.vector_store %arg4[%swap3A, %swap3A_23], %max3A_22 {strides = array<i32>} : memref<4096x16xf32, #tpu.memory_space<vmem>>, vector<4096x16xf32>,
    return
  }
  func.func @transform_0(%arg0: i32) -> (i32, i32) {
    %c0_i32 = arith.constant 0 : i32
    %c0_i32_0 = arith.constant 0 : i32
    return %arg0, %c0_i32 : i32, i32
  }
  func.func @transform_1(%arg0: i32) -> (i32, i32) {
    %c0_i32 = arith.constant 0 : i32
    %c0_i32_0 = arith.constant 0 : i32
    %c0_i32_1 = arith.constant 0 : i32
    return %c0_i32, %c0_i32_0 : i32, i32
  }
  func.func @transform_2(%arg0: i32) -> (i32, i32) {
    %c0_i32 = arith.constant 0 : i32
    %c0_i32_0 = arith.constant 0 : i32
    %c0_i32_1 = arith.constant 0 : i32
    return %c0_i32, %c0_i32_0 : i32, i32
  }
  func.func @transform_3(%arg0: i32) -> (i32, i32) {
    %c0_i32 = arith.constant 0 : i32
    %c0_i32_0 = arith.constant 0 : i32
    return %arg0, %c0_i32 : i32, i32
  }
}

</mosaic_0001>

<sc_bundles>
// kernel: gather_offload_async_start
scs
__scs_entry_jumppad:
0x0: {  	(pc) =	sbr.rel $0x88, $3  }
0x1: {  	(tag) =	ssettag $0x0;
	lr =	simm.s32 $0x1  }
0x2: {  	[smem:$0x3F99] =	sst lr;
	_ =	strace $0xD0000000  }
0x3: {  	_ = 	snop  }
0x4: {  	_ = 	snop  }
0x5: {  	_ = 	snop  }
0x6: {  	_ = 	snop  }
0x7: {  	_ = 	snop  }
__scs_overlays_trampoline_lowered:
0x8: {  	[smem:$0x3FA8] =	sst s0  }
0x9: {  	[smem:$0x3FA9] =	sst s1  }
0xa: {  	[smem:$0x3FAA] =	sst s2  }
0xb: {  	[smem:$0x3FAB] =	sst s3  }
0xc: {  	[smem:$0x3FAC] =	sst s4  }
0xd: {  	[smem:$0x3FAD] =	sst s5  }
0xe: {  	[smem:$0x3FAE] =	sst s6  }
0xf: {  	[smem:$0x3FAF] =	sst s7  }
0x10: {  	[smem:$0x3FB0] =	sst s8  }
0x11: {  	[smem:$0x3FB1] =	sst s9;
	s0 =	simm.s32 @!p0 $0x0  }
0x12: {  	s1 =	sld [smem:$0x3F97];
	s0 =	simm.s32 @p0 $0x1  }
0x13: {  	[smem:$0x3FB2] =	sst s0;
	s0 =	simm.s32 @!p1 $0x0  }
0x14: {  	s2 =	sld [smem:$0x3F96];
	s0 =	simm.s32 @p1 $0x1  }
0x15: {  	[smem:$0x3FB3] =	sst s0;
	s0 =	simm.s32 @!p2 $0x0  }
0x16: {  	s3 =	sld [smem:$0x3FDB];
	s0 =	simm.s32 @p2 $0x1  }
0x17: {  	s4 =	simm.s32 $0x1BF5;
	[smem:$0x3FB5] =	sst s0  }
0x18: {  	s0 =	sld [smem:$0x3F98];
	_ =	swait.ge [sflag:s4], $0x0  }
0x19: {  	s7 =	sld [smem:$0x3F99]  }
0x1a: {  	s8 =	sadd.s32 $0xFFFFE003, lr  }
0x1b: {  	s9 =	sadd.s32 $0xFFFFFEF7, lr;
	s5 =	simm.s32 $0xFFFFFFFF;
	p2 =	slt.u32 s8, $0xFFFFF086  }
0x1c: {  	p1 =	slt.u32 s9, $0xF7A;
	s5 =	simm.s32 @!p2 $0x0  }
0x1d: {  	s5 =	simm.s32 @p1 $0x1;
	p0 =	seq.s32 s7, s2  }
0x1e: {  	s7 =	smul.u32 @!p0 $0xF7A, s2;
	p2 =	seq.s32 @!p0 s5, $0x0  }
0x1f: {  	s9 =	smul.u32 $0xF7A, s1;
	s8 =	simm.s32 @!p0 $0x1BF5;
	p2 =	por !p2, p0  }
0x20: {  	[sflag:s8] =	ssyncset.s32 @!p0 $0xFFFFF086;
	s6 =	sadd.s32 @!p0 s3, s7;
	s7 =	simm.s32 @!p0 $0x108  }
0x21: {  	s3 =	sadd.s32 s3, s9;
	s6 =	sadd.s32 @!p0 $0x88, s6;
	s7 =	simm.s32 @p2 $0x1082  }
0x22: {  	[simem:s7], [sflag:s8] =	dma.local @!p0 [hbm:s6], $0xF7A  }
0x23: {  	s9 =	sor.u32 $0xD0000000, s2;
	s6 =	simm.s32 $0x108;
	_ =	swait.ge @!p0 [sflag:s8], $0x0  }
0x24: {  	s3 =	sadd.s32 $0x88, s3;
	s6 =	simm.s32 @!p1 $0x1082;
	[sflag:s4] =	ssyncset.s32 $0xFFFFF086  }
0x25: {  	[simem:s6], [sflag:s4] =	dma.local [hbm:s3], $0xF7A  }
0x26: {  	[smem:$0x3F99] =	sst s1;
	(tag) =	ssettag s2;
	_ =	strace s9  }
0x27: {  	s1 =	sld [smem:$0x3FA9]  }
0x28: {  	s2 =	sld [smem:$0x3FAA]  }
0x29: {  	s4 =	sld [smem:$0x3FAC]  }
0x2a: {  	p0 =	seq.s32 s5, $0x0;
	s5 =	sld [smem:$0x3FAD]  }
0x2b: {  	s6 =	sld [smem:$0x3FAE]  }
0x2c: {  	s7 =	sld [smem:$0x3FAF]  }
0x2d: {  	s3 =	simm.s32 $0x108;
	s8 =	sld [smem:$0x3FB0]  }
0x2e: {  	s3 =	simm.s32 @!p0 $0x1082;
	s9 =	sld [smem:$0x3FB1]  }
0x2f: {  	lr =	sadd.s32 s0, s3;
	s0 =	sld [smem:$0x3FA8]  }
0x30: {  	s3 =	sld [smem:$0x3FAB]  }
0x31: {  	[smem:$0x3FB4] =	sst s10  }
0x32: {  	s10 =	sld [smem:$0x3FB2];
	_ =	sdelay $0x3  }
0x33: {  	p0 =	seq.s32 s10, $0x1;
	s10 =	sld [smem:$0x3FB4];
	_ =	sdelay $0x3  }
0x34: {  	[smem:$0x3FB4] =	sst s10  }
0x35: {  	s10 =	sld [smem:$0x3FB3];
	_ =	sdelay $0x3  }
0x36: {  	p1 =	seq.s32 s10, $0x1;
	s10 =	sld [smem:$0x3FB4];
	_ =	sdelay $0x3  }
0x37: {  	[smem:$0x3FB4] =	sst s10  }
0x38: {  	s10 =	sld [smem:$0x3FB5]  }
0x39: {  	_ = 	snop;
	(pc) =	sbr.ind lr, $3  }
0x3a: {  	_ = 	snop  }
0x3b: {  	_ = 	snop  }
0x3c: {  	p2 =	seq.s32 s10, $0x1;
	s10 =	sld [smem:$0x3FB4]  }
0x3d: {  	_ =	shalt  }
0x3e: {  	_ =	shalt  }
0x3f: {  	_ =	shalt  }
0x40: {  	_ =	shalt  }
0x41: {  	_ =	shalt  }
0x42: {  	_ =	shalt  }
0x43: {  	_ =	shalt  }
0x44: {  	_ =	shalt  }
0x45: {  	_ =	shalt  }
0x46: {  	_ =	shalt  }
0x47: {  	_ =	shalt  }
0x48: {  	_ =	shalt  }
0x49: {  	_ =	shalt  }
0x4a: {  	_ =	shalt  }
0x4b: {  	_ =	shalt  }
0x4c: {  	_ =	shalt  }
0x4d: {  	_ =	shalt  }
0x4e: {  	_ =	shalt  }
0x4f: {  	_ =	shalt  }
0x50: {  	_ =	shalt  }
0x51: {  	_ =	shalt  }
0x52: {  	_ =	shalt  }
0x53: {  	_ =	shalt  }
0x54: {  	_ =	shalt  }
0x55: {  	_ =	shalt  }
0x56: {  	_ =	shalt  }
0x57: {  	_ =	shalt  }
0x58: {  	_ =	shalt  }
0x59: {  	_ =	shalt  }
0x5a: {  	_ =	shalt  }
0x5b: {  	_ =	shalt  }
0x5c: {  	_ =	shalt  }
0x5d: {  	_ =	shalt  }
0x5e: {  	_ =	shalt  }
0x5f: {  	_ =	shalt  }
0x60: {  	_ =	shalt  }
0x61: {  	_ =	shalt  }
0x62: {  	_ =	shalt  }
0x63: {  	_ =	shalt  }
0x64: {  	_ =	shalt  }
0x65: {  	_ =	shalt  }
0x66: {  	_ =	shalt  }
0x67: {  	_ =	shalt  }
0x68: {  	_ =	shalt  }
0x69: {  	_ =	shalt  }
0x6a: {  	_ =	shalt  }
0x6b: {  	_ =	shalt  }
0x6c: {  	_ =	shalt  }
0x6d: {  	_ =	shalt  }
0x6e: {  	_ =	shalt  }
0x6f: {  	_ =	shalt  }
0x70: {  	_ =	shalt  }
0x71: {  	_ =	shalt  }
0x72: {  	_ =	shalt  }
0x73: {  	_ =	shalt  }
0x74: {  	_ =	shalt  }
0x75: {  	_ =	shalt  }
0x76: {  	_ =	shalt  }
0x77: {  	_ =	shalt  }
0x78: {  	_ =	shalt  }
0x79: {  	_ =	shalt  }
0x7a: {  	_ =	shalt  }
0x7b: {  	_ =	shalt  }
0x7c: {  	_ =	shalt  }
0x7d: {  	_ =	shalt  }
0x7e: {  	_ =	shalt  }
0x7f: {  	_ =	shalt  }
0x80: {  	_ =	shalt  }
0x81: {  	_ =	shalt  }
0x82: {  	_ =	shalt  }
0x83: {  	_ =	shalt  }
0x84: {  	_ =	shalt  }
0x85: {  	_ =	shalt  }
0x86: {  	_ =	shalt  }
0x87: {  	_ =	shalt  }
.Lfunc_end0:
.L_simem_size_0:
called_computation_lowered:
.L_overlay_start_0:
0x88: {  	s2 =	sld [smem:$0x3FD9]  }
0x89: {  	s3 =	sld [smem:$0x3FFE];
	_ =	sdelay $0x1  }
0x8a: {  	s1 =	srdreg.scid  }
0x8b: {  	s0 =	sand.u32 $0x1, s1  }
0x8c: {  	s16 =	sshll.u32 s0, $0xA;
	s2 =	sadd.s32 s3, s2  }
0x8d: {  	s2 =	sadd.s32 s2, s16  }
0x8e: {  	[smem:$0x3FC0] =	sst s2  }
0x8f: {  	_ = 	snop  }
0x90: {  	(tm) =	ssettm $0x1  }
0x91: {  	s17 =	sld [smem:$0x3FFB];
	_ =	sdelay $0x3  }
0x92: {  	_ =	strace s17  }
0x93: {  	s2 =	sld [smem:$0x3FFC];
	_ =	sdelay $0x3  }
0x94: {  	_ =	strace s2  }
0x95: {  	s2 =	sld [smem:$0x3FFD];
	_ =	sdelay $0x3  }
0x96: {  	_ =	strace s2  }
0x97: {  	_ =	strace $0x8FFFFFFF  }
0x98: {  	s18 =	sld [smem:$0x3FDB];
	_ =	sdelay $0x1  }
0x99: {  	s19 =	simm.s32 $_scs_section_size  }
0x9a: {  	s4 =	simm.s32 $_size__tile_overlayer_lowered;
	s5 =	simm.s32 $_tile_overlayer_lowered  }
0x9b: {  	s22 =	simm.s32 $0x1BFF;
	s21 =	sshll.u32 s5, $0x1;
	s2 =	sadd.s32 s19, s18  }
0x9c: {  	s6 =	simm.s32 $0x0;
	s20 =	sshll.u32 s4, $0x1;
	s4 =	sadd.s32 s21, s2  }
0x9d: {  	[timem:s6], [sflag:s22] =	dma.local [hbm:s4], s20  }
0x9e: {  	_ =	swait.ge [sflag:s22], s20  }
0x9f: {  	s3 =	ssub.s32 $0x0, s20;
	[sflag:s22] =	ssyncset.done $0x0  }
0xa0: {  	[sflag:s22] =	ssyncadd.s32 s3;
	_ =	sdelay $0x1  }
0xa1: {  	s23 =	simm.s32 $0x1B8B  }
0xa2: {  	_ =	swait.ge [sflag:s23], $0x1  }
0xa3: {  	[sflag:s23] =	ssyncset.done $0x0  }
0xa4: {  	s25 =	simm.s32 $0x1B8E;
	s24 =	sld [smem:$0x3FFE];
	[sflag:s23] =	ssyncadd.s32 $0xFFFFFFFF  }
0xa5: {  	s26 =	simm.s32 $execute0_lowered;
	[smem:$0x3FD2] =	sst s25  }
0xa6: {  	s4 =	sshll.u32 s26, $0x1;
	_ =	strace $0x80000046;
	[dreg:$0x1] =	wrdreg $0xFFFFFFFF  }
0xa7: {  	s28 =	simm.s32 $_size_execute0_lowered;
	s2 =	sadd.s32 s2, s4;
	[dreg:$0x0] =	wrdreg $0x0  }
0xa8: {  	s4 =	sshll.u32 s28, $0x1;
	[dreg:$0x2] =	wrdreg s2  }
0xa9: {  	[dreg:$0x3] =	wrdreg s4  }
0xaa: {  	[dreg:$0x4] =	wrdreg $0xC0  }
0xab: {  	_ =	task [dreg:s6], $0x5FFFF  }
0xac: {  	[dreg:$0x1] =	wrdreg $0xFFFFFFFF  }
0xad: {  	[dreg:$0x0] =	wrdreg $0x60  }
0xae: {  	[dreg:$0x2] =	wrdreg s24  }
0xaf: {  	[dreg:$0x3] =	wrdreg $0x9  }
0xb0: {  	_ =	task.clear_ibuf [dreg:s6], $0x4FFFF;
	_ =	strace $0x90000046  }
0xb1: {  	s29 =	simm.s32 $0x9;
	_ =	strace $0x80000048  }
0xb2: {  	_ =	swait.ge [sflag:s29], $0x1  }
0xb3: {  	[sflag:s29] =	ssyncadd.s32 $0xFFFFFFFF  }
0xb4: {  	_ =	strace $0x90000048  }
0xb5: {  	_ =	sfence  }
0xb6: {  	s30 =	sld [smem:$0x0];
	_ =	sdelay $0x2  }
0xb7: {  	s31 =	sshll.u32 s1, $0xD;
	s1 =	sshrl.u32 s1, $0x2  }
0xb8: {  	s3 =	sand.u32 $0x4000, s31;
	s1 =	sadd.s32 s1, s30  }
0xb9: {  	s0 =	sor.u32 s3, s0;
	s1 =	sshll.u32 s1, $0x11  }
0xba: {  	s0 =	sor.u32 s1, s0  }
0xbb: {  	s0 =	sadd.s32 $0x8F2B, s0  }
0xbc: {  	[sflag:s0] =	ssyncadd.remote.s32 $0x1  }
0xbd: {  	_ =	sfence.sel $0xFFFF  }
0xbe: {  	[dreg:$0x0] =	wrdreg $0xFFFFFFFF;
	(pc) =	sbr.abs _section_cstart, $3  }
0xbf: {  	[dreg:$0x1] =	wrdreg $0xFFFFFFFF  }
0xc0: {  	_ =	task.clear_ibuf [dreg:s6], $0x2FFFF;
	_ =	strace $0x9FFFFFFF  }
0xc1: {  	(tm) =	ssettm $0x7FFFFFFF  }
tec
execute0_lowered:
.L_overlay_start_1:
0x0: {  	(tag) =	ssettag $0x1  }
0x1: {  	s8 =	rddreg [dreg:$0x0]  }
0x2: {  	s0 =	rddreg [dreg:$0x1];
	_ =	strace $0x80000047;
	s1 =	stileid.u32  }
0x3: {  	s3 =	srdreg.scid;
	s4 =	simm.s32 $0x1;
	s7 =	simm.s32 $0x1  }
0x4: {  	s9 =	simm.s32 $0x1;
	s10 =	simm.s32 $0x3;
	s13 =	simm.s32 $0x0  }
0x5: {  	s12 =	simm.s32 $0x0;
	s5 =	sand.u32 $0x1, s3;
	s6 =	sshll.u32 s1, $0x1  }
0x6: {  	s2 =	sadd.s32 $0x1EF400, s8;
	s3 =	sadd.s32 $0xC00, s8;
	s5 =	sor.u32 s6, s5  }
.Ltmp0:
0x7: {  	[sflag:s4] =	ssyncpa.u1 $0x0;
	p0 =	slt.u32 s5, $0x13;
	(pc) =	sbr.rel .LBB2_1-.Ltmp0, $4  }
0x8: {  	s6 =	simm.s32 $0x2;
	s7 =	simm.s32 @!p0 $0x0;
	p0 =	sne.s32 s5, $0x12  }
0x9: {  	[sflag:s6] =	ssyncpa.u1 $0x0;
	s5 =	smul.u32 $0xFA0, s5;
	s9 =	simm.s32 @!p0 $0x0  }
0xa: {  	s8 =	sadd.s32 $0x6E00, s8;
	[sflag:s10] =	ssyncpa.u1 $0x0;
	s7 =	sadd.s32 s9, s7  }
0xb: {  	vm0 =	vmmov $0xffff;
	s10 =	simm.s32 $0x0;
	s11 =	smov.u32 s5;
	s9 =	sadd.s32 $0x1, s7  }
.LBB2_4:
0xc: {  	v4 =	vand.u32 $0x7F, v4;
	v1 =	vmul.u32 $0x7D000, v1;
	v3 =	vand.u32 $0x1F80, v3  }
0xd: {  	v2 =	vand.u32 $0x7F, v2;
	v4 =	vsel vm1, $0xFFFFFFFF, v4;
	v3 =	vsel vm1, $0xFFFFFF80, v3  }
0xe: {  	v2 =	vmul.u32 $0x1400, v2;
	v5 =	vand.u32 $0xFFFFFC00, v3;
	v6 =	vand.u32 $0xFFFFFC00, v4  }
0xf: {  	v3 =	vand.u32 $0x380, v3;
	v5 =	vadd.s32 v5, v6  }
0x10: {  	v4 =	vand.u32 $0x7F, v4;
	v1 =	vadd.s32 v1, v2;
	v63 =	vor.u32 v3, v5  }
0x11: {  	v1 =	vsel vm1, $0xFFF81C00, v1;
	v2 =	vor.u32 v4, v63  }
0x12: {  	v1 =	vadd.s32 v1, v2;
	_ =	sdelay $0x1  }
0x13: {  	(ifvalue) =	ssetifvalue $0x7FFFFFFF;
	s15 =	sadd.s32 $0x10, s15  }
0x14: {  	[tilespmem:s15], [sflag:$0x1] =	stream.indirect_vreg.gather [hbm4b:s2+s10], $0x1, v0, vm0, $0x4038;
	[tilespmem:$0x3E80] =	vst v63  }
0x15: {  	(ifvalue) =	ssetifvalue $0x7FFFFFFF;
	s15 =	sadd.s32 $0x10, s15  }
0x16: {  	[tilespmem:s15], [sflag:$0x1] =	stream.indirect_vreg.gather [hbm4b:s2+s10], $0x1, v1, vm0, $0x4038;
	[tilespmem:$0x3E80] =	vst v63  }
0x17: {  	_ =	swait.ge [sflag:s4], $0xFA0  }
0x18: {  	s30 =	sshrl.u32 s13, $0x3;
	[sflag:s4] =	ssyncset.done $0x0  }
0x19: {  	s31 =	sand.u32 $0x7, s13;
	s15 =	sadd.s32 s8, s30;
	[sflag:s4] =	ssyncadd.s32 $0xFFFFF060  }
0x1a: {  	[hbm4b:s15+s31] =	stream.linear.scatter [tilespmem:s14], [sflag:$0x3], $0xFA0, $0x38;
	[tilespmem:$0x3E80] =	vst v63  }
.LBB2_5:
0x1b: {  	s15 =	sadd.s32 $0x1F400, s11  }
0x1c: {  	p1 =	sgt.s32 s15, $0x30D3F  }
0x1d: {  	s15 =	smov.u32 @p1 s5;
	p1 =	sne.s32 s12, s9  }
.Ltmp1:
0x1e: {  	p0 =	slt.u32 s12, $0x2;
	(pc) =	sbr.rel @!p1 .LBB2_6-.Ltmp1, $4  }
0x1f: {  	s14 =	simm.s32 @!p0 $0x3  }
0x20: {  	_ =	swait.ge @!p0 [sflag:s14], $0xFA0  }
0x21: {  	s16 =	sadd.s32 $0x1, s12;
	s13 =	smov.u32 s11;
	[sflag:s14] =	ssyncset.done @!p0 $0x0  }
0x22: {  	s12 =	smov.u32 s16;
	s11 =	smov.u32 s15;
	[sflag:s14] =	ssyncadd.s32 @!p0 $0xFFFFF060  }
.LBB2_1:
0x23: {  	p0 =	sge.u32 s12, s7  }
0x24: {  	s14 =	sxor.u32 @!p0 $0x1, s12  }
0x25: {  	s14 =	smul.u32 @!p0 $0x3E80, s14  }
0x26: {  	s31 =	sadd.s32 $0xFFFFFFFF, s12;
	s15 =	sshrl.u32 @!p0 s11, $0x3  }
0x27: {  	s16 =	sand.u32 @!p0 $0x7, s11;
	s15 =	sadd.s32 @!p0 s3, s15;
	s14 =	sshra.s32 @!p0 s14, $0x2  }
0x28: {  	[tilespmem:s14], [sflag:$0x2] =	stream.linear.gather @!p0 [hbm4b:s15+s16], $0xFA0, $0x38;
	[tilespmem:$0x3E80] =	vst v63  }
0x29: {  	p0 =	sge.u32 s31, s7  }
.Ltmp2:
0x2a: {  	_ = 	snop;
	(pc) =	sbr.rel @p0 .LBB2_5-.Ltmp2, $1  }
0x2b: {  	_ =	sdelay $0x3  }
0x2c: {  	s14 =	sand.u32 $0x1, s12  }
0x2d: {  	_ =	swait.ge [sflag:s6], $0xFA0;
	p0 =	seq.s32 s14, $0x1;
	s14 =	simm.s32 $0xFA0  }
0x2e: {  	[sflag:s6] =	ssyncset.done $0x0;
	s14 =	simm.s32 @!p0 $0x0  }
0x2f: {  	[sflag:s6] =	ssyncadd.s32 $0xFFFFF060;
	(ifvalue) =	ssetifvalue $0x7FFFFFFF;
	v0 =	vld.msk [tilespmem:s14+$0x0 ss:$0x1], $0xffff;
	_ =	sdelay $0x4  }
0x30: {  	s15 =	sadd.s32 $0x10, s14;
	vm1 =	veq.s32 v0, $0x80000000;
	v1 =	vand.u32 $0x3F, v0;
	v3 =	vshrl.u32 v0, $0x13  }
0x31: {  	v4 =	vld.msk [tilespmem:s15+$0x0 ss:$0x1], $0xffff;
	v2 =	vshrl.u32 v0, $0xC;
	v0 =	vshll.u32 v0, $0x1;
	v3 =	vand.u32 $0x7F, v3  }
0x32: {  	v1 =	vmul.u32 $0x7D000, v1;
	v0 =	vand.u32 $0x1F80, v0;
	v2 =	vand.u32 $0x7F, v2  }
0x33: {  	v3 =	vsel vm1, $0xFFFFFFFF, v3;
	v0 =	vsel vm1, $0xFFFFFF80, v0;
	v2 =	vmul.u32 $0x1400, v2  }
0x34: {  	v5 =	vand.u32 $0xFFFFFC00, v0;
	v6 =	vand.u32 $0xFFFFFC00, v3;
	v0 =	vand.u32 $0x380, v0  }
0x35: {  	v3 =	vand.u32 $0x7F, v3;
	v5 =	vadd.s32 v5, v6;
	v1 =	vadd.s32 v1, v2  }
0x36: {  	v2 =	vand.u32 $0x3F, v4;
	v0 =	vor.u32 v0, v5;
	v1 =	vsel vm1, $0xFFF81C00, v1  }
0x37: {  	vm1 =	veq.s32 v4, $0x80000000;
	v0 =	vor.u32 v3, v0;
	v3 =	vshrl.u32 v4, $0x13  }
0x38: {  	v0 =	vadd.s32 v1, v0;
	v1 =	vshrl.u32 v4, $0xC;
	v4 =	vshll.u32 v4, $0x1  }
0x39: {  	s15 =	sadd.s32 $0x10, s15;
	v2 =	vmul.u32 $0x7D000, v2;
	v3 =	vand.u32 $0x7F, v3;
	v4 =	vand.u32 $0x1F80, v4  }
0x3a: {  	v5 =	vld.msk [tilespmem:s15+$0x0 ss:$0x1], $0xffff;
	v1 =	vand.u32 $0x7F, v1;
	v3 =	vsel vm1, $0xFFFFFFFF, v3;
	v4 =	vsel vm1, $0xFFFFFF80, v4  }
0x3b: {  	v1 =	vmul.u32 $0x1400, v1;
	v7 =	vand.u32 $0xFFFFFC00, v3;
	v6 =	vand.u32 $0xFFFFFC00, v4  }
0x3c: {  	v4 =	vand.u32 $0x380, v4;
	v6 =	vadd.s32 v6, v7  }
0x3d: {  	s14 =	sadd.s32 $0x1F40, s14;
	(ifvalue) =	ssetifvalue $0x7FFFFFFF;
	v3 =	vand.u32 $0x7F, v3;
	v1 =	vadd.s32 v2, v1;
	v2 =	vor.u32 v4, v6  }
0x3e: {  	[tilespmem:s14], [sflag:$0x1] =	stream.indirect_vreg.gather [hbm4b:s2+s10], $0x1, v0, vm0, $0x4038;
	v0 =	vsel vm1, $0xFFF81C00, v1;
	v2 =	vor.u32 v3, v2;
	[tilespmem:$0x3E80] =	vst v63  }
0x3f: {  	vm1 =	veq.s32 v5, $0x80000000;
	v1 =	vand.u32 $0x3F, v5;
	v0 =	vadd.s32 v0, v2  }
0x40: {  	s16 =	simm.s32 $0x20;
	s17 =	sadd.s32 $0x10, s15;
	s15 =	smov.u32 s14;
	v4 =	vshrl.u32 v5, $0x13;
	v3 =	vshll.u32 v5, $0x1;
	v2 =	vshrl.u32 v5, $0xC  }
.LBB2_3:
0x41: {  	v5 =	vld.msk [tilespmem:s17+$0x0 ss:$0x1], $0xffff;
	v4 =	vand.u32 $0x7F, v4;
	v1 =	vmul.u32 $0x7D000, v1;
	v3 =	vand.u32 $0x1F80, v3  }
0x42: {  	s16 =	sadd.s32 $0x10, s16;
	v2 =	vand.u32 $0x7F, v2;
	v4 =	vsel vm1, $0xFFFFFFFF, v4;
	v3 =	vsel vm1, $0xFFFFFF80, v3  }
0x43: {  	s15 =	sadd.s32 $0x10, s15;
	p0 =	slt.u32 s16, $0xF90;
	v2 =	vmul.u32 $0x1400, v2;
	v6 =	vand.u32 $0xFFFFFC00, v3;
	v7 =	vand.u32 $0xFFFFFC00, v4;
	(ifvalue) =	ssetifvalue $0x7FFFFFFF  }
0x44: {  	[tilespmem:s15], [sflag:$0x1] =	stream.indirect_vreg.gather [hbm4b:s2+s10], $0x1, v0, vm0, $0x4038;
	[tilespmem:$0x3E80] =	vst v63  }
.Ltmp3:
0x45: {  	v3 =	vand.u32 $0x380, v3;
	v6 =	vadd.s32 v6, v7;
	(pc) =	sbr.rel @p0 .LBB2_3-.Ltmp3, $4  }
0x46: {  	v0 =	vand.u32 $0x7F, v4;
	v1 =	vadd.s32 v1, v2;
	v2 =	vor.u32 v3, v6  }
0x47: {  	v3 =	vsel vm1, $0xFFF81C00, v1;
	v0 =	vor.u32 v0, v2  }
0x48: {  	vm1 =	veq.s32 v5, $0x80000000;
	v1 =	vand.u32 $0x3F, v5;
	v0 =	vadd.s32 v3, v0  }
0x49: {  	s17 =	sadd.s32 $0x10, s17;
	v2 =	vshrl.u32 v5, $0xC;
	v4 =	vshrl.u32 v5, $0x13;
	v3 =	vshll.u32 v5, $0x1  }
.Ltmp4:
0x4a: {  	_ = 	snop;
	(pc) =	sbr.rel .LBB2_4-.Ltmp4, $1  }
0x4b: {  	_ =	sdelay $0x3  }
.LBB2_6:
0x4c: {  	_ =	sfence.sel $0x180000  }
0x4d: {  	s2 =	simm.s32 $0x2;
	[bflag:$0x0] =	sbarrier.arrive $0xFFFF  }
0x4e: {  	s30 =	simm.s32 $0x3;
	[sflag:s2] =	ssyncpa.u1 $0x1  }
0x4f: {  	s31 =	simm.s32 $0x1;
	[sflag:s30] =	ssyncpa.u1 $0x1  }
0x50: {  	[sflag:s31] =	ssyncpa.u1 $0x1  }
0x51: {  	p0 =	sne.s32 s1, $0x0;
	_ =	strace $0x90000047  }
0x52: {  	s0 =	sadd.s32 @!p0 $0x100000, s0;
	[bflag:$0x2] =	sbarrier.arrive $0xFFFF  }
0x53: {  	[sflag:s0] =	ssyncadd.tile.s32 @!p0 $0x1;
	_ =	shalt  }
.Lfunc_end2:
_tile_overlayer_lowered:
.L_overlay_start_2:
0x54: {  	(tag) =	ssettag $0x2  }
0x55: {  	s0 =	rddreg [dreg:$0x0];
	s2 =	stileid.u32  }
0x56: {  	s1 =	rddreg [dreg:$0x1];
	p0 =	sne.s32 s2, $0x0  }
0x57: {  	s3 =	rddreg [dreg:$0x2];
	[bflag:$0x3] =	sbarrier.arrive $0xFFFF;
	s2 =	simm.s32 @!p0 $0x1C01  }
0x58: {  	[timem:s3], [sflag:s2] =	dma.local @!p0 [hbm:s0], s1  }
0x59: {  	s0 =	simm.s32 @!p0 $0x1  }
0x5a: {  	_ =	swait.ge @!p0 [sflag:s0], s1  }
0x5b: {  	s1 =	ssub.s32 @!p0 $0x0, s1;
	[sflag:s0] =	ssyncset.done @!p0 $0x0  }
0x5c: {  	[sflag:s0] =	ssyncadd.s32 @!p0 s1  }
0x5d: {  	[bflag:$0x3] =	sbarrier.arrive $0xFFFF  }
0x5e: {  	_ =	shalt  }

// kernel: kernel.11.cloned.1.call-start
scs
__scs_entry_jumppad:
0x0: {  	(pc) =	sbr.rel $0x88, $3  }
0x1: {  	(tag) =	ssettag $0x0;
	lr =	simm.s32 $0x1  }
0x2: {  	[smem:$0x3F99] =	sst lr;
	_ =	strace $0xD0000000  }
0x3: {  	_ = 	snop  }
0x4: {  	_ = 	snop  }
0x5: {  	_ = 	snop  }
0x6: {  	_ = 	snop  }
0x7: {  	_ = 	snop  }
__scs_overlays_trampoline_lowered:
0x8: {  	[smem:$0x3FA8] =	sst s0  }
0x9: {  	[smem:$0x3FA9] =	sst s1  }
0xa: {  	[smem:$0x3FAA] =	sst s2  }
0xb: {  	[smem:$0x3FAB] =	sst s3  }
0xc: {  	[smem:$0x3FAC] =	sst s4  }
0xd: {  	[smem:$0x3FAD] =	sst s5  }
0xe: {  	[smem:$0x3FAE] =	sst s6  }
0xf: {  	[smem:$0x3FAF] =	sst s7  }
0x10: {  	[smem:$0x3FB0] =	sst s8  }
0x11: {  	[smem:$0x3FB1] =	sst s9;
	s0 =	simm.s32 @!p0 $0x0  }
0x12: {  	s1 =	sld [smem:$0x3F97];
	s0 =	simm.s32 @p0 $0x1  }
0x13: {  	[smem:$0x3FB2] =	sst s0;
	s0 =	simm.s32 @!p1 $0x0  }
0x14: {  	s2 =	sld [smem:$0x3F96];
	s0 =	simm.s32 @p1 $0x1  }
0x15: {  	[smem:$0x3FB3] =	sst s0;
	s0 =	simm.s32 @!p2 $0x0  }
0x16: {  	s3 =	sld [smem:$0x3FDB];
	s0 =	simm.s32 @p2 $0x1  }
0x17: {  	s4 =	simm.s32 $0x1BF5;
	[smem:$0x3FB5] =	sst s0  }
0x18: {  	s0 =	sld [smem:$0x3F98];
	_ =	swait.ge [sflag:s4], $0x0  }
0x19: {  	s7 =	sld [smem:$0x3F99]  }
0x1a: {  	s8 =	sadd.s32 $0xFFFFE003, lr  }
0x1b: {  	s9 =	sadd.s32 $0xFFFFFEF7, lr;
	s5 =	simm.s32 $0xFFFFFFFF;
	p2 =	slt.u32 s8, $0xFFFFF086  }
0x1c: {  	p1 =	slt.u32 s9, $0xF7A;
	s5 =	simm.s32 @!p2 $0x0  }
0x1d: {  	s5 =	simm.s32 @p1 $0x1;
	p0 =	seq.s32 s7, s2  }
0x1e: {  	s7 =	smul.u32 @!p0 $0xF7A, s2;
	p2 =	seq.s32 @!p0 s5, $0x0  }
0x1f: {  	s9 =	smul.u32 $0xF7A, s1;
	s8 =	simm.s32 @!p0 $0x1BF5;
	p2 =	por !p2, p0  }
0x20: {  	[sflag:s8] =	ssyncset.s32 @!p0 $0xFFFFF086;
	s6 =	sadd.s32 @!p0 s3, s7;
	s7 =	simm.s32 @!p0 $0x108  }
0x21: {  	s3 =	sadd.s32 s3, s9;
	s6 =	sadd.s32 @!p0 $0x88, s6;
	s7 =	simm.s32 @p2 $0x1082  }
0x22: {  	[simem:s7], [sflag:s8] =	dma.local @!p0 [hbm:s6], $0xF7A  }
0x23: {  	s9 =	sor.u32 $0xD0000000, s2;
	s6 =	simm.s32 $0x108;
	_ =	swait.ge @!p0 [sflag:s8], $0x0  }
0x24: {  	s3 =	sadd.s32 $0x88, s3;
	s6 =	simm.s32 @!p1 $0x1082;
	[sflag:s4] =	ssyncset.s32 $0xFFFFF086  }
0x25: {  	[simem:s6], [sflag:s4] =	dma.local [hbm:s3], $0xF7A  }
0x26: {  	[smem:$0x3F99] =	sst s1;
	(tag) =	ssettag s2;
	_ =	strace s9  }
0x27: {  	s1 =	sld [smem:$0x3FA9]  }
0x28: {  	s2 =	sld [smem:$0x3FAA]  }
0x29: {  	s4 =	sld [smem:$0x3FAC]  }
0x2a: {  	p0 =	seq.s32 s5, $0x0;
	s5 =	sld [smem:$0x3FAD]  }
0x2b: {  	s6 =	sld [smem:$0x3FAE]  }
0x2c: {  	s7 =	sld [smem:$0x3FAF]  }
0x2d: {  	s3 =	simm.s32 $0x108;
	s8 =	sld [smem:$0x3FB0]  }
0x2e: {  	s3 =	simm.s32 @!p0 $0x1082;
	s9 =	sld [smem:$0x3FB1]  }
0x2f: {  	lr =	sadd.s32 s0, s3;
	s0 =	sld [smem:$0x3FA8]  }
0x30: {  	s3 =	sld [smem:$0x3FAB]  }
0x31: {  	[smem:$0x3FB4] =	sst s10  }
0x32: {  	s10 =	sld [smem:$0x3FB2];
	_ =	sdelay $0x3  }
0x33: {  	p0 =	seq.s32 s10, $0x1;
	s10 =	sld [smem:$0x3FB4];
	_ =	sdelay $0x3  }
0x34: {  	[smem:$0x3FB4] =	sst s10  }
0x35: {  	s10 =	sld [smem:$0x3FB3];
	_ =	sdelay $0x3  }
0x36: {  	p1 =	seq.s32 s10, $0x1;
	s10 =	sld [smem:$0x3FB4];
	_ =	sdelay $0x3  }
0x37: {  	[smem:$0x3FB4] =	sst s10  }
0x38: {  	s10 =	sld [smem:$0x3FB5]  }
0x39: {  	_ = 	snop;
	(pc) =	sbr.ind lr, $3  }
0x3a: {  	_ = 	snop  }
0x3b: {  	_ = 	snop  }
0x3c: {  	p2 =	seq.s32 s10, $0x1;
	s10 =	sld [smem:$0x3FB4]  }
0x3d: {  	_ =	shalt  }
0x3e: {  	_ =	shalt  }
0x3f: {  	_ =	shalt  }
0x40: {  	_ =	shalt  }
0x41: {  	_ =	shalt  }
0x42: {  	_ =	shalt  }
0x43: {  	_ =	shalt  }
0x44: {  	_ =	shalt  }
0x45: {  	_ =	shalt  }
0x46: {  	_ =	shalt  }
0x47: {  	_ =	shalt  }
0x48: {  	_ =	shalt  }
0x49: {  	_ =	shalt  }
0x4a: {  	_ =	shalt  }
0x4b: {  	_ =	shalt  }
0x4c: {  	_ =	shalt  }
0x4d: {  	_ =	shalt  }
0x4e: {  	_ =	shalt  }
0x4f: {  	_ =	shalt  }
0x50: {  	_ =	shalt  }
0x51: {  	_ =	shalt  }
0x52: {  	_ =	shalt  }
0x53: {  	_ =	shalt  }
0x54: {  	_ =	shalt  }
0x55: {  	_ =	shalt  }
0x56: {  	_ =	shalt  }
0x57: {  	_ =	shalt  }
0x58: {  	_ =	shalt  }
0x59: {  	_ =	shalt  }
0x5a: {  	_ =	shalt  }
0x5b: {  	_ =	shalt  }
0x5c: {  	_ =	shalt  }
0x5d: {  	_ =	shalt  }
0x5e: {  	_ =	shalt  }
0x5f: {  	_ =	shalt  }
0x60: {  	_ =	shalt  }
0x61: {  	_ =	shalt  }
0x62: {  	_ =	shalt  }
0x63: {  	_ =	shalt  }
0x64: {  	_ =	shalt  }
0x65: {  	_ =	shalt  }
0x66: {  	_ =	shalt  }
0x67: {  	_ =	shalt  }
0x68: {  	_ =	shalt  }
0x69: {  	_ =	shalt  }
0x6a: {  	_ =	shalt  }
0x6b: {  	_ =	shalt  }
0x6c: {  	_ =	shalt  }
0x6d: {  	_ =	shalt  }
0x6e: {  	_ =	shalt  }
0x6f: {  	_ =	shalt  }
0x70: {  	_ =	shalt  }
0x71: {  	_ =	shalt  }
0x72: {  	_ =	shalt  }
0x73: {  	_ =	shalt  }
0x74: {  	_ =	shalt  }
0x75: {  	_ =	shalt  }
0x76: {  	_ =	shalt  }
0x77: {  	_ =	shalt  }
0x78: {  	_ =	shalt  }
0x79: {  	_ =	shalt  }
0x7a: {  	_ =	shalt  }
0x7b: {  	_ =	shalt  }
0x7c: {  	_ =	shalt  }
0x7d: {  	_ =	shalt  }
0x7e: {  	_ =	shalt  }
0x7f: {  	_ =	shalt  }
0x80: {  	_ =	shalt  }
0x81: {  	_ =	shalt  }
0x82: {  	_ =	shalt  }
0x83: {  	_ =	shalt  }
0x84: {  	_ =	shalt  }
0x85: {  	_ =	shalt  }
0x86: {  	_ =	shalt  }
0x87: {  	_ =	shalt  }
.Lfunc_end0:
.L_simem_size_0:
called_computation.1_lowered:
.L_overlay_start_0:
0x88: {  	s2 =	sld [smem:$0x3FD9]  }
0x89: {  	s3 =	sld [smem:$0x3FFE];
	_ =	sdelay $0x1  }
0x8a: {  	s1 =	srdreg.scid  }
0x8b: {  	s0 =	sand.u32 $0x1, s1  }
0x8c: {  	s17 =	sshll.u32 s0, $0xA;
	s2 =	sadd.s32 s3, s2  }
0x8d: {  	s2 =	sadd.s32 s2, s17  }
0x8e: {  	[smem:$0x3FC0] =	sst s2  }
0x8f: {  	_ = 	snop  }
0x90: {  	s18 =	sld [smem:$0x3FD0];
	(tm) =	ssettm $0x1  }
0x91: {  	s19 =	sld [smem:$0x3FFB];
	_ =	sdelay $0x3  }
0x92: {  	_ =	strace s19  }
0x93: {  	s2 =	sld [smem:$0x3FFC];
	_ =	sdelay $0x3  }
0x94: {  	_ =	strace s2  }
0x95: {  	s2 =	sld [smem:$0x3FFD];
	_ =	sdelay $0x3  }
0x96: {  	_ =	strace s2  }
0x97: {  	_ =	strace $0x8FFFFFFF  }
0x98: {  	s20 =	sld [smem:$0x3FDB];
	_ =	sdelay $0x1  }
0x99: {  	s4 =	simm.s32 $_scs_section_size  }
0x9a: {  	s5 =	simm.s32 $_size__tile_overlayer_lowered;
	s6 =	simm.s32 $_tile_overlayer_lowered  }
0x9b: {  	s7 =	simm.s32 $0x1BFF;
	s21 =	sshll.u32 s6, $0x1;
	s4 =	sadd.s32 s4, s20  }
0x9c: {  	s22 =	simm.s32 $0x0;
	s5 =	sshll.u32 s5, $0x1;
	s6 =	sadd.s32 s21, s4  }
0x9d: {  	[timem:s22], [sflag:s7] =	dma.local [hbm:s6], s5  }
0x9e: {  	_ =	swait.ge [sflag:s7], s5  }
0x9f: {  	s5 =	ssub.s32 $0x0, s5;
	[sflag:s7] =	ssyncset.done $0x0  }
0xa0: {  	[sflag:s7] =	ssyncadd.s32 s5;
	_ =	sdelay $0x1  }
0xa1: {  	s23 =	simm.s32 $0x1B8B  }
0xa2: {  	_ =	swait.ge [sflag:s23], $0x1  }
0xa3: {  	[sflag:s23] =	ssyncset.done $0x0  }
0xa4: {  	[sflag:s23] =	ssyncadd.s32 $0xFFFFFFFF  }
0xa5: {  	s5 =	sld [smem:$0x0]  }
0xa6: {  	s6 =	sand.u32 $0xFFFFFFFE, s1  }
0xa7: {  	p0 =	sne.s32 s1, s6  }
0xa8: {  	s6 =	sshll.u32 @p0 s6, $0xE  }
0xa9: {  	s6 =	sadd.s32 @p0 $0x11B8D, s6;
	s7 =	sshll.u32 @p0 s5, $0x11  }
0xaa: {  	s6 =	sor.u32 @p0 s7, s6  }
0xab: {  	[sflag:s6] =	ssyncadd.remote.s32 @p0 $0x1;
	_ =	sdelay $0x1  }
0xac: {  	s6 =	simm.s32 @p0 $0x1B8D  }
0xad: {  	_ =	swait.eq @p0 [sflag:s6], $0x1  }
0xae: {  	[sflag:s6] =	ssyncadd.s32 @p0 $0xFFFFFFFF  }
0xaf: {  	s7 =	sshll.u32 @!p0 s1, $0xE  }
0xb0: {  	s7 =	sor.u32 @!p0 $0x4000, s7;
	s6 =	simm.s32 @!p0 $0x1B8D  }
0xb1: {  	s5 =	sshll.u32 @!p0 s5, $0x11;
	s7 =	sadd.s32 @!p0 $0x11B8D, s7;
	_ =	swait.eq @!p0 [sflag:s6], $0x1  }
0xb2: {  	s5 =	sor.u32 @!p0 s5, s7;
	[sflag:s6] =	ssyncadd.s32 @!p0 $0xFFFFFFFF  }
0xb3: {  	s25 =	simm.s32 $0x1B8E;
	s24 =	sld [smem:$0x3FFE];
	[sflag:s5] =	ssyncadd.remote.s32 @!p0 $0x1  }
0xb4: {  	s26 =	simm.s32 $execute0_lowered;
	[smem:$0x3FD2] =	sst s25  }
0xb5: {  	s6 =	sshll.u32 s26, $0x1;
	_ =	strace $0x80000049;
	[dreg:$0x1] =	wrdreg $0xFFFFFFFF  }
0xb6: {  	s28 =	simm.s32 $_size_execute0_lowered;
	s4 =	sadd.s32 s4, s6;
	[dreg:$0x0] =	wrdreg $0x0  }
0xb7: {  	s6 =	sshll.u32 s28, $0x1;
	[dreg:$0x2] =	wrdreg s4  }
0xb8: {  	[dreg:$0x3] =	wrdreg s6  }
0xb9: {  	[dreg:$0x4] =	wrdreg $0xC0  }
0xba: {  	_ =	task [dreg:s22], $0x5FFFF  }
0xbb: {  	[dreg:$0x1] =	wrdreg $0xFFFFFFFF  }
0xbc: {  	[dreg:$0x0] =	wrdreg $0x60  }
0xbd: {  	[dreg:$0x2] =	wrdreg s18  }
0xbe: {  	[dreg:$0x3] =	wrdreg s24  }
0xbf: {  	[dreg:$0x4] =	wrdreg $0xA  }
0xc0: {  	_ =	task.clear_ibuf [dreg:s22], $0x5FFFF;
	_ =	strace $0x90000049  }
0xc1: {  	s29 =	simm.s32 $0xA;
	_ =	strace $0x8000004B  }
0xc2: {  	_ =	swait.ge [sflag:s29], $0x1  }
0xc3: {  	[sflag:s29] =	ssyncadd.s32 $0xFFFFFFFF  }
0xc4: {  	_ =	strace $0x9000004B  }
0xc5: {  	_ =	sfence  }
0xc6: {  	s30 =	sld [smem:$0x0];
	_ =	sdelay $0x2  }
0xc7: {  	s31 =	sshll.u32 s1, $0xD;
	s1 =	sshrl.u32 s1, $0x2  }
0xc8: {  	s4 =	sand.u32 $0x4000, s31;
	s1 =	sadd.s32 s1, s30  }
0xc9: {  	s0 =	sor.u32 s4, s0;
	s1 =	sshll.u32 s1, $0x11  }
0xca: {  	s0 =	sor.u32 s1, s0  }
0xcb: {  	s0 =	sadd.s32 $0x8F2B, s0  }
0xcc: {  	[sflag:s0] =	ssyncadd.remote.s32 $0x1  }
0xcd: {  	_ =	sfence.sel $0xFFFF  }
0xce: {  	[dreg:$0x0] =	wrdreg $0xFFFFFFFF;
	(pc) =	sbr.abs _section_cstart, $3  }
0xcf: {  	[dreg:$0x1] =	wrdreg $0xFFFFFFFF  }
0xd0: {  	_ =	task.clear_ibuf [dreg:s22], $0x2FFFF;
	_ =	strace $0x9FFFFFFF  }
0xd1: {  	(tm) =	ssettm $0x7FFFFFFF  }
tec
execute0_lowered:
.L_overlay_start_1:
0x0: {  	(tag) =	ssettag $0x1  }
0x1: {  	s1 =	rddreg [dreg:$0x0]  }
0x2: {  	s4 =	rddreg [dreg:$0x1]  }
0x3: {  	s2 =	srdreg.scid;
	s0 =	rddreg [dreg:$0x2];
	s3 =	simm.s32 $0x0  }
0x4: {  	s9 =	simm.s32 $0x0;
	s5 =	sand.u32 $0x1, s2;
	s2 =	stileid.u32  }
0x5: {  	[smem:$0x7FF] =	sst s3;
	s4 =	sadd.s32 $0xD000, s4;
	s6 =	ssub.s32 $0x2, s5  }
0x6: {  	v0 =	vlaneseq.u32;
	s8 =	sshll.u32 s2, $0x1;
	_ =	strace $0x8000004A;
	s7 =	sshrl.u32 s6, $0x1  }
0x7: {  	v0 =	vmul.u32 $0x4, v0;
	s5 =	sor.u32 s5, s8;
	s8 =	simm.s32 $0x1900;
	s6 =	ssub.s32 s6, s7  }
0x8: {  	s5 =	smul.u32 $0x1900, s5;
	s7 =	simm.s32 $0x1;
	s6 =	smax.u32 s6, $0x1  }
.LBB2_1:
0x9: {  	s10 =	simm.s32 $0x0  }
.LBB2_2:
0xa: {  	s11 =	smul.u32 $0x640, s10;
	_ =	sdelay $0x1  }
0xb: {  	s11 =	sadd.s32 s5, s11  }
0xc: {  	s14 =	simm.s32 $0x1;
	s12 =	sshrl.u32 s11, $0x1  }
0xd: {  	s13 =	simm.s32 $0x0;
	v1 =	vor.u32 s14, v0;
	s12 =	sadd.s32 s1, s12  }
0xe: {  	[tilespmem:s13], [sflag:$0x1] =	stream.linear.gather [hbm4b:s12+s13], $0x1900, $0x38;
	[tilespmem:$0x1F40] =	vst v63  }
0xf: {  	v2 =	vor.u32 s13, v0;
	_ =	swait.ge [sflag:s7], $0x1900  }
0x10: {  	[sflag:s7] =	ssyncset.done $0x0  }
0x11: {  	s30 =	simm.s32 $0x2;
	[sflag:s7] =	ssyncadd.s32 $0xFFFFE700  }
0x12: {  	v3 =	vor.u32 s30, v0;
	v1 =	vld.idx.msk [tilespmem:v1+s3+$0x0], $0xffff  }
0x13: {  	s31 =	simm.s32 $0x3  }
0x14: {  	v4 =	vor.u32 s31, v0;
	v2 =	vld.idx.msk [tilespmem:v2+s3+$0x0], $0xffff;
	_ =	sdelay $0x2  }
0x15: {  	v5 =	vld.idx.msk [tilespmem:v3+s3+$0x0], $0xffff;
	v1 =	vmul.u32 $0x28, v1;
	_ =	sdelay $0x1  }
0x16: {  	v2 =	vadd.s32 v1, v2;
	v1 =	vld.idx.msk [tilespmem:v4+s3+$0x0], $0xffff;
	_ =	sdelay $0x2  }
0x17: {  	s15 =	simm.s32 $0x41;
	s14 =	simm.s32 $0x80;
	s12 =	simm.s32 $0x40;
	v3 =	vadd.s32 $0x28, v2;
	v2 =	vmul.u32 $0x2A, v5  }
.LBB2_3:
0x18: {  	p0 =	sne.s32 s14, $0x18C0;
	v4 =	vor.u32 s15, v0;
	v3 =	vmul.u32 $0x6E4, v3  }
0x19: {  	v1 =	vadd.s32 v2, v1  }
0x1a: {  	s15 =	sadd.s32 $0x2, s12;
	v2 =	vor.u32 s12, v0;
	v1 =	vadd.s32 v3, v1  }
0x1b: {  	v3 =	vor.u32 s15, v0;
	s15 =	sshra.s32 s13, $0x2;
	s13 =	smov.u32 s12;
	s12 =	smov.u32 s14;
	v1 =	vadd.s32 $0x2B, v1  }
0x1c: {  	s16 =	sadd.s32 $0x3, s13;
	[tilespmem:s15+$0x1900] =	vst v1  }
0x1d: {  	v1 =	vor.u32 s16, v0;
	v4 =	vld.idx.msk [tilespmem:v4+s3+$0x0], $0xffff;
	_ =	sdelay $0x1  }
0x1e: {  	v2 =	vld.idx.msk [tilespmem:v2+s3+$0x0], $0xffff  }
0x1f: {  	v5 =	vld.idx.msk [tilespmem:v3+s3+$0x0], $0xffff;
	_ =	sdelay $0x1  }
.Ltmp0:
0x20: {  	v1 =	vld.idx.msk [tilespmem:v1+s3+$0x0], $0xffff;
	(pc) =	sbr.rel @p0 .LBB2_3-.Ltmp0, $3  }
0x21: {  	v3 =	vmul.u32 $0x28, v4;
	_ =	sdelay $0x1  }
0x22: {  	v2 =	vadd.s32 v3, v2  }
0x23: {  	s14 =	sadd.s32 $0x40, s14;
	s15 =	sadd.s32 $0x1, s12;
	v3 =	vadd.s32 $0x28, v2;
	v2 =	vmul.u32 $0x2A, v5  }
0x24: {  	v4 =	vor.u32 s15, v0;
	v3 =	vmul.u32 $0x6E4, v3  }
0x25: {  	v1 =	vadd.s32 v2, v1  }
0x26: {  	s14 =	sadd.s32 $0x2, s12;
	v2 =	vor.u32 s12, v0;
	v1 =	vadd.s32 v3, v1  }
0x27: {  	s13 =	sshra.s32 s13, $0x2;
	v3 =	vor.u32 s14, v0;
	v1 =	vadd.s32 $0x2B, v1  }
0x28: {  	s30 =	sadd.s32 $0x3, s12;
	[tilespmem:s13+$0x1900] =	vst v1  }
0x29: {  	v63 =	vor.u32 s30, v0;
	v1 =	vld.idx.msk [tilespmem:v4+s3+$0x0], $0xffff;
	_ =	sdelay $0x1  }
0x2a: {  	v2 =	vld.idx.msk [tilespmem:v2+s3+$0x0], $0xffff  }
0x2b: {  	v3 =	vld.idx.msk [tilespmem:v3+s3+$0x0], $0xffff;
	_ =	sdelay $0x1  }
0x2c: {  	v4 =	vld.idx.msk [tilespmem:v63+s3+$0x0], $0xffff;
	v1 =	vmul.u32 $0x28, v1;
	_ =	sdelay $0x1  }
0x2d: {  	v1 =	vadd.s32 v1, v2  }
0x2e: {  	v2 =	vmul.u32 $0x2A, v3;
	v1 =	vadd.s32 $0x28, v1  }
0x2f: {  	v1 =	vmul.u32 $0x6E4, v1  }
0x30: {  	v2 =	vadd.s32 v2, v4  }
0x31: {  	s10 =	sadd.s32 $0x1, s10;
	v1 =	vadd.s32 v1, v2  }
0x32: {  	s31 =	sshra.s32 s12, $0x2;
	s11 =	sshrl.u32 s11, $0x3;
	p0 =	sne.s32 s10, $0x4;
	v1 =	vadd.s32 $0x2B, v1  }
.Ltmp1:
0x33: {  	s11 =	sadd.s32 s4, s11;
	[tilespmem:s31+$0x1900] =	vst v1;
	(pc) =	sbr.rel @p0 .LBB2_2-.Ltmp1, $4  }
0x34: {  	[hbm4b:s11+s3] =	stream.linear.scatter [tilespmem:s8], [sflag:$0x1], $0x640, $0x38;
	[tilespmem:$0x1F40] =	vst v63  }
0x35: {  	_ =	swait.ge [sflag:s7], $0x640  }
0x36: {  	[sflag:s7] =	ssyncset.done $0x0  }
0x37: {  	[sflag:s7] =	ssyncadd.s32 $0xFFFFF9C0  }
0x38: {  	s9 =	sadd.s32 $0x1, s9  }
0x39: {  	p0 =	sne.s32 s9, s6  }
.Ltmp2:
0x3a: {  	_ = 	snop;
	(pc) =	sbr.rel @p0 .LBB2_1-.Ltmp2, $1  }
0x3b: {  	_ =	sdelay $0x3  }
0x3c: {  	_ =	sfence.sel $0x180000  }
0x3d: {  	[bflag:$0x0] =	sbarrier.arrive $0xFFFF  }
0x3e: {  	p0 =	sne.s32 s2, $0x0;
	_ =	strace $0x9000004A  }
0x3f: {  	s0 =	sadd.s32 @!p0 $0x100000, s0;
	[bflag:$0x2] =	sbarrier.arrive $0xFFFF  }
0x40: {  	[sflag:s0] =	ssyncadd.tile.s32 @!p0 $0x1;
	_ =	shalt  }
.Lfunc_end2:
_tile_overlayer_lowered:
.L_overlay_start_2:
0x41: {  	(tag) =	ssettag $0x2  }
0x42: {  	s0 =	rddreg [dreg:$0x0];
	s2 =	stileid.u32  }
0x43: {  	s1 =	rddreg [dreg:$0x1];
	p0 =	sne.s32 s2, $0x0  }
0x44: {  	s3 =	rddreg [dreg:$0x2];
	[bflag:$0x3] =	sbarrier.arrive $0xFFFF;
	s2 =	simm.s32 @!p0 $0x1C01  }
0x45: {  	[timem:s3], [sflag:s2] =	dma.local @!p0 [hbm:s0], s1  }
0x46: {  	s0 =	simm.s32 @!p0 $0x1  }
0x47: {  	_ =	swait.ge @!p0 [sflag:s0], s1  }
0x48: {  	s1 =	ssub.s32 @!p0 $0x0, s1;
	[sflag:s0] =	ssyncset.done @!p0 $0x0  }
0x49: {  	[sflag:s0] =	ssyncadd.s32 @!p0 s1  }
0x4a: {  	[bflag:$0x3] =	sbarrier.arrive $0xFFFF  }
0x4b: {  	_ =	shalt  }

// kernel: kernel.14.cloned.1.call-start
scs
__scs_entry_jumppad:
0x0: {  	(pc) =	sbr.rel $0x88, $3  }
0x1: {  	(tag) =	ssettag $0x0;
	lr =	simm.s32 $0x1  }
0x2: {  	[smem:$0x3F99] =	sst lr;
	_ =	strace $0xD0000000  }
0x3: {  	_ = 	snop  }
0x4: {  	_ = 	snop  }
0x5: {  	_ = 	snop  }
0x6: {  	_ = 	snop  }
0x7: {  	_ = 	snop  }
__scs_overlays_trampoline_lowered:
0x8: {  	[smem:$0x3FA8] =	sst s0  }
0x9: {  	[smem:$0x3FA9] =	sst s1  }
0xa: {  	[smem:$0x3FAA] =	sst s2  }
0xb: {  	[smem:$0x3FAB] =	sst s3  }
0xc: {  	[smem:$0x3FAC] =	sst s4  }
0xd: {  	[smem:$0x3FAD] =	sst s5  }
0xe: {  	[smem:$0x3FAE] =	sst s6  }
0xf: {  	[smem:$0x3FAF] =	sst s7  }
0x10: {  	[smem:$0x3FB0] =	sst s8  }
0x11: {  	[smem:$0x3FB1] =	sst s9;
	s0 =	simm.s32 @!p0 $0x0  }
0x12: {  	s1 =	sld [smem:$0x3F97];
	s0 =	simm.s32 @p0 $0x1  }
0x13: {  	[smem:$0x3FB2] =	sst s0;
	s0 =	simm.s32 @!p1 $0x0  }
0x14: {  	s2 =	sld [smem:$0x3F96];
	s0 =	simm.s32 @p1 $0x1  }
0x15: {  	[smem:$0x3FB3] =	sst s0;
	s0 =	simm.s32 @!p2 $0x0  }
0x16: {  	s3 =	sld [smem:$0x3FDB];
	s0 =	simm.s32 @p2 $0x1  }
0x17: {  	s4 =	simm.s32 $0x1BF5;
	[smem:$0x3FB5] =	sst s0  }
0x18: {  	s0 =	sld [smem:$0x3F98];
	_ =	swait.ge [sflag:s4], $0x0  }
0x19: {  	s7 =	sld [smem:$0x3F99]  }
0x1a: {  	s8 =	sadd.s32 $0xFFFFE003, lr  }
0x1b: {  	s9 =	sadd.s32 $0xFFFFFEF7, lr;
	s5 =	simm.s32 $0xFFFFFFFF;
	p2 =	slt.u32 s8, $0xFFFFF086  }
0x1c: {  	p1 =	slt.u32 s9, $0xF7A;
	s5 =	simm.s32 @!p2 $0x0  }
0x1d: {  	s5 =	simm.s32 @p1 $0x1;
	p0 =	seq.s32 s7, s2  }
0x1e: {  	s7 =	smul.u32 @!p0 $0xF7A, s2;
	p2 =	seq.s32 @!p0 s5, $0x0  }
0x1f: {  	s9 =	smul.u32 $0xF7A, s1;
	s8 =	simm.s32 @!p0 $0x1BF5;
	p2 =	por !p2, p0  }
0x20: {  	[sflag:s8] =	ssyncset.s32 @!p0 $0xFFFFF086;
	s6 =	sadd.s32 @!p0 s3, s7;
	s7 =	simm.s32 @!p0 $0x108  }
0x21: {  	s3 =	sadd.s32 s3, s9;
	s6 =	sadd.s32 @!p0 $0x88, s6;
	s7 =	simm.s32 @p2 $0x1082  }
0x22: {  	[simem:s7], [sflag:s8] =	dma.local @!p0 [hbm:s6], $0xF7A  }
0x23: {  	s9 =	sor.u32 $0xD0000000, s2;
	s6 =	simm.s32 $0x108;
	_ =	swait.ge @!p0 [sflag:s8], $0x0  }
0x24: {  	s3 =	sadd.s32 $0x88, s3;
	s6 =	simm.s32 @!p1 $0x1082;
	[sflag:s4] =	ssyncset.s32 $0xFFFFF086  }
0x25: {  	[simem:s6], [sflag:s4] =	dma.local [hbm:s3], $0xF7A  }
0x26: {  	[smem:$0x3F99] =	sst s1;
	(tag) =	ssettag s2;
	_ =	strace s9  }
0x27: {  	s1 =	sld [smem:$0x3FA9]  }
0x28: {  	s2 =	sld [smem:$0x3FAA]  }
0x29: {  	s4 =	sld [smem:$0x3FAC]  }
0x2a: {  	p0 =	seq.s32 s5, $0x0;
	s5 =	sld [smem:$0x3FAD]  }
0x2b: {  	s6 =	sld [smem:$0x3FAE]  }
0x2c: {  	s7 =	sld [smem:$0x3FAF]  }
0x2d: {  	s3 =	simm.s32 $0x108;
	s8 =	sld [smem:$0x3FB0]  }
0x2e: {  	s3 =	simm.s32 @!p0 $0x1082;
	s9 =	sld [smem:$0x3FB1]  }
0x2f: {  	lr =	sadd.s32 s0, s3;
	s0 =	sld [smem:$0x3FA8]  }
0x30: {  	s3 =	sld [smem:$0x3FAB]  }
0x31: {  	[smem:$0x3FB4] =	sst s10  }
0x32: {  	s10 =	sld [smem:$0x3FB2];
	_ =	sdelay $0x3  }
0x33: {  	p0 =	seq.s32 s10, $0x1;
	s10 =	sld [smem:$0x3FB4];
	_ =	sdelay $0x3  }
0x34: {  	[smem:$0x3FB4] =	sst s10  }
0x35: {  	s10 =	sld [smem:$0x3FB3];
	_ =	sdelay $0x3  }
0x36: {  	p1 =	seq.s32 s10, $0x1;
	s10 =	sld [smem:$0x3FB4];
	_ =	sdelay $0x3  }
0x37: {  	[smem:$0x3FB4] =	sst s10  }
0x38: {  	s10 =	sld [smem:$0x3FB5]  }
0x39: {  	_ = 	snop;
	(pc) =	sbr.ind lr, $3  }
0x3a: {  	_ = 	snop  }
0x3b: {  	_ = 	snop  }
0x3c: {  	p2 =	seq.s32 s10, $0x1;
	s10 =	sld [smem:$0x3FB4]  }
0x3d: {  	_ =	shalt  }
0x3e: {  	_ =	shalt  }
0x3f: {  	_ =	shalt  }
0x40: {  	_ =	shalt  }
0x41: {  	_ =	shalt  }
0x42: {  	_ =	shalt  }
0x43: {  	_ =	shalt  }
0x44: {  	_ =	shalt  }
0x45: {  	_ =	shalt  }
0x46: {  	_ =	shalt  }
0x47: {  	_ =	shalt  }
0x48: {  	_ =	shalt  }
0x49: {  	_ =	shalt  }
0x4a: {  	_ =	shalt  }
0x4b: {  	_ =	shalt  }
0x4c: {  	_ =	shalt  }
0x4d: {  	_ =	shalt  }
0x4e: {  	_ =	shalt  }
0x4f: {  	_ =	shalt  }
0x50: {  	_ =	shalt  }
0x51: {  	_ =	shalt  }
0x52: {  	_ =	shalt  }
0x53: {  	_ =	shalt  }
0x54: {  	_ =	shalt  }
0x55: {  	_ =	shalt  }
0x56: {  	_ =	shalt  }
0x57: {  	_ =	shalt  }
0x58: {  	_ =	shalt  }
0x59: {  	_ =	shalt  }
0x5a: {  	_ =	shalt  }
0x5b: {  	_ =	shalt  }
0x5c: {  	_ =	shalt  }
0x5d: {  	_ =	shalt  }
0x5e: {  	_ =	shalt  }
0x5f: {  	_ =	shalt  }
0x60: {  	_ =	shalt  }
0x61: {  	_ =	shalt  }
0x62: {  	_ =	shalt  }
0x63: {  	_ =	shalt  }
0x64: {  	_ =	shalt  }
0x65: {  	_ =	shalt  }
0x66: {  	_ =	shalt  }
0x67: {  	_ =	shalt  }
0x68: {  	_ =	shalt  }
0x69: {  	_ =	shalt  }
0x6a: {  	_ =	shalt  }
0x6b: {  	_ =	shalt  }
0x6c: {  	_ =	shalt  }
0x6d: {  	_ =	shalt  }
0x6e: {  	_ =	shalt  }
0x6f: {  	_ =	shalt  }
0x70: {  	_ =	shalt  }
0x71: {  	_ =	shalt  }
0x72: {  	_ =	shalt  }
0x73: {  	_ =	shalt  }
0x74: {  	_ =	shalt  }
0x75: {  	_ =	shalt  }
0x76: {  	_ =	shalt  }
0x77: {  	_ =	shalt  }
0x78: {  	_ =	shalt  }
0x79: {  	_ =	shalt  }
0x7a: {  	_ =	shalt  }
0x7b: {  	_ =	shalt  }
0x7c: {  	_ =	shalt  }
0x7d: {  	_ =	shalt  }
0x7e: {  	_ =	shalt  }
0x7f: {  	_ =	shalt  }
0x80: {  	_ =	shalt  }
0x81: {  	_ =	shalt  }
0x82: {  	_ =	shalt  }
0x83: {  	_ =	shalt  }
0x84: {  	_ =	shalt  }
0x85: {  	_ =	shalt  }
0x86: {  	_ =	shalt  }
0x87: {  	_ =	shalt  }
.Lfunc_end0:
.L_simem_size_0:
called_computation.2_lowered:
.L_overlay_start_0:
0x88: {  	s2 =	sld [smem:$0x3FD9]  }
0x89: {  	s3 =	sld [smem:$0x3FFE];
	_ =	sdelay $0x1  }
0x8a: {  	s1 =	srdreg.scid  }
0x8b: {  	s0 =	sand.u32 $0x1, s1  }
0x8c: {  	s17 =	sshll.u32 s0, $0xA;
	s2 =	sadd.s32 s3, s2  }
0x8d: {  	s2 =	sadd.s32 s2, s17  }
0x8e: {  	[smem:$0x3FC0] =	sst s2  }
0x8f: {  	_ = 	snop  }
0x90: {  	s2 =	sld [smem:$0x3FD0];
	(tm) =	ssettm $0x1  }
0x91: {  	s18 =	sld [smem:$0x3FFB];
	_ =	sdelay $0x3  }
0x92: {  	_ =	strace s18  }
0x93: {  	s3 =	sld [smem:$0x3FFC];
	_ =	sdelay $0x3  }
0x94: {  	_ =	strace s3  }
0x95: {  	s3 =	sld [smem:$0x3FFD];
	_ =	sdelay $0x3  }
0x96: {  	_ =	strace s3  }
0x97: {  	_ =	strace $0x8FFFFFFF  }
0x98: {  	s19 =	sld [smem:$0x3FDB];
	_ =	sdelay $0x1  }
0x99: {  	s4 =	simm.s32 $_scs_section_size  }
0x9a: {  	s5 =	simm.s32 $_size__tile_overlayer_lowered;
	s6 =	simm.s32 $_tile_overlayer_lowered  }
0x9b: {  	s22 =	simm.s32 $0x1BFF;
	s21 =	sshll.u32 s6, $0x1;
	s3 =	sadd.s32 s4, s19  }
0x9c: {  	s7 =	simm.s32 $0x0;
	s20 =	sshll.u32 s5, $0x1;
	s5 =	sadd.s32 s21, s3  }
0x9d: {  	[timem:s7], [sflag:s22] =	dma.local [hbm:s5], s20  }
0x9e: {  	_ =	swait.ge [sflag:s22], s20  }
0x9f: {  	s4 =	ssub.s32 $0x0, s20;
	[sflag:s22] =	ssyncset.done $0x0  }
0xa0: {  	[sflag:s22] =	ssyncadd.s32 s4;
	_ =	sdelay $0x1  }
0xa1: {  	s23 =	simm.s32 $0x1B8B  }
0xa2: {  	_ =	swait.ge [sflag:s23], $0x1  }
0xa3: {  	[sflag:s23] =	ssyncset.done $0x0  }
0xa4: {  	s25 =	simm.s32 $0x1B8E;
	s24 =	sld [smem:$0x3FFE];
	[sflag:s23] =	ssyncadd.s32 $0xFFFFFFFF  }
0xa5: {  	s26 =	simm.s32 $execute0_lowered;
	[smem:$0x3FD2] =	sst s25  }
0xa6: {  	s5 =	sshll.u32 s26, $0x1;
	_ =	strace $0x8000004C;
	[dreg:$0x1] =	wrdreg $0xFFFFFFFF  }
0xa7: {  	s28 =	simm.s32 $_size_execute0_lowered;
	s3 =	sadd.s32 s3, s5;
	[dreg:$0x0] =	wrdreg $0x0  }
0xa8: {  	s5 =	sshll.u32 s28, $0x1;
	[dreg:$0x2] =	wrdreg s3  }
0xa9: {  	[dreg:$0x3] =	wrdreg s5  }
0xaa: {  	[dreg:$0x4] =	wrdreg $0xC0  }
0xab: {  	_ =	task [dreg:s7], $0x5FFFF  }
0xac: {  	[dreg:$0x1] =	wrdreg $0xFFFFFFFF  }
0xad: {  	[dreg:$0x0] =	wrdreg $0x60  }
0xae: {  	[dreg:$0x2] =	wrdreg s24  }
0xaf: {  	[dreg:$0x3] =	wrdreg s2  }
0xb0: {  	[dreg:$0x4] =	wrdreg $0x9  }
0xb1: {  	_ =	task.clear_ibuf [dreg:s7], $0x5FFFF;
	_ =	strace $0x9000004C  }
0xb2: {  	s29 =	simm.s32 $0x9;
	_ =	strace $0x8000004E  }
0xb3: {  	_ =	swait.ge [sflag:s29], $0x1  }
0xb4: {  	[sflag:s29] =	ssyncadd.s32 $0xFFFFFFFF  }
0xb5: {  	_ =	strace $0x9000004E  }
0xb6: {  	_ =	sfence  }
0xb7: {  	s30 =	sld [smem:$0x0];
	_ =	sdelay $0x2  }
0xb8: {  	s31 =	sshll.u32 s1, $0xD;
	s1 =	sshrl.u32 s1, $0x2  }
0xb9: {  	s3 =	sand.u32 $0x4000, s31;
	s1 =	sadd.s32 s1, s30  }
0xba: {  	s0 =	sor.u32 s3, s0;
	s1 =	sshll.u32 s1, $0x11  }
0xbb: {  	s0 =	sor.u32 s1, s0  }
0xbc: {  	s0 =	sadd.s32 $0x8F2B, s0  }
0xbd: {  	[sflag:s0] =	ssyncadd.remote.s32 $0x1  }
0xbe: {  	_ =	sfence.sel $0xFFFF  }
0xbf: {  	[dreg:$0x0] =	wrdreg $0xFFFFFFFF;
	(pc) =	sbr.abs _section_cstart, $3  }
0xc0: {  	[dreg:$0x1] =	wrdreg $0xFFFFFFFF  }
0xc1: {  	_ =	task.clear_ibuf [dreg:s7], $0x2FFFF;
	_ =	strace $0x9FFFFFFF  }
0xc2: {  	(tm) =	ssettm $0x7FFFFFFF  }
0xc3: {  	_ =	shalt  }
tec
execute0_lowered:
.L_overlay_start_1:
0x0: {  	(tag) =	ssettag $0x1  }
0x1: {  	s4 =	rddreg [dreg:$0x0]  }
0x2: {  	s5 =	rddreg [dreg:$0x1]  }
0x3: {  	s0 =	rddreg [dreg:$0x2];
	s3 =	srdreg.scid  }
0x4: {  	s1 =	stileid.u32;
	s2 =	simm.s32 $0x0;
	s10 =	simm.s32 $0x0  }
0x5: {  	s3 =	sand.u32 $0x1, s3;
	s6 =	sshll.u32 s1, $0x1;
	[smem:$0x7FF] =	sst s2  }
0x6: {  	s6 =	sor.u32 s3, s6;
	_ =	strace $0x8000004D;
	s7 =	ssub.s32 $0x2, s3  }
0x7: {  	s3 =	sadd.s32 $0xD000, s4;
	s8 =	smul.u32 $0x172A0, s6;
	s30 =	sshrl.u32 s7, $0x1  }
0x8: {  	s4 =	sadd.s32 $0xC00, s4;
	s6 =	ssub.s32 s7, s30;
	s7 =	simm.s32 $0x172A0  }
0x9: {  	s9 =	sadd.s32 $0x172A0, s8;
	s31 =	sshrl.u32 s8, $0x3;
	s6 =	smax.u32 s6, $0x1  }
0xa: {  	v2 =	vimm.s32 $0x5265C0;
	v0 =	vmov s8;
	s8 =	simm.s32 $0x1;
	s5 =	sadd.s32 s5, s31;
	v1 =	vmov s9;
	s9 =	simm.s32 $0x17A70  }
.LBB2_1:
0xb: {  	s11 =	simm.s32 $0x40;
	s12 =	simm.s32 $0x0  }
.LBB2_2:
0xc: {  	p0 =	sne.s32 s11, $0x5CA40;
	[tilespmem:s12+$0x0] =	vst v2;
	s12 =	smov.u32 s11;
	s11 =	sadd.s32 $0x40, s11  }
.Ltmp0:
0xd: {  	(pc) =	sbr.rel @p0 .LBB2_2-.Ltmp0, $2  }
0xe: {  	_ =	sdelay $0x2  }
0xf: {  	s12 =	sshra.s32 s12, $0x2  }
0x10: {  	[tilespmem:s12+$0x0] =	vst v2;
	s11 =	simm.s32 $0x0;
	s12 =	simm.s32 $0x0  }
.LBB2_4:
0x11: {  	s13 =	smul.u32 $0xFA, s12;
	_ =	sdelay $0x1  }
0x12: {  	s14 =	sadd.s32 s3, s13  }
0x13: {  	[tilespmem:s7], [sflag:$0x1] =	stream.linear.gather [hbm4b:s14+s11], $0x7D0, $0x38;
	[tilespmem:$0x18240] =	vst v63  }
0x14: {  	_ =	swait.ge [sflag:s8], $0x7D0  }
0x15: {  	[sflag:s8] =	ssyncset.done $0x0  }
0x16: {  	s13 =	sadd.s32 s4, s13;
	[sflag:s8] =	ssyncadd.s32 $0xFFFFF830  }
0x17: {  	[tilespmem:s9], [sflag:$0x1] =	stream.linear.gather [hbm4b:s13+s11], $0x7D0, $0x38;
	[tilespmem:$0x18240] =	vst v63  }
0x18: {  	_ =	swait.ge [sflag:s8], $0x7D0  }
0x19: {  	[sflag:s8] =	ssyncset.done $0x0  }
0x1a: {  	s14 =	simm.s32 $0x40;
	s13 =	simm.s32 $0x0;
	[sflag:s8] =	ssyncadd.s32 $0xFFFFF830  }
.LBB2_5:
0x1b: {  	p0 =	sne.s32 s14, $0x1F00;
	v3 =	vld [tilespmem:s13+$0x172A0];
	_ =	sdelay $0x4  }
0x1c: {  	v4 =	vsub.s32 v3, v0  }
0x1d: {  	vm0 =	vge.s32 v3, v0;
	vm1 =	vlt.s32 v3, v1;
	vm2 =	vgt.s32 v4, $0x0  }
0x1e: {  	vm0 =	vmand vm0, vm1;
	v3 =	vnsel vm2, $0x0, v4  }
0x1f: {  	v4 =	vld [tilespmem:s13+$0x17A70];
	v3 =	vmin.u32 v3, $0x1729F  }
.Ltmp1:
0x20: {  	(pc) =	sbr.rel @p0 .LBB2_5-.Ltmp1, $2  }
0x21: {  	_ =	sdelay $0x2  }
0x22: {  	s13 =	sshra.s32 s14, $0x2;
	s14 =	sadd.s32 $0x40, s14;
	[tilespmem:v3+s2+$0x0] =	vst.idx.msk vm0, v4  }
0x23: {  	v3 =	vld [tilespmem:s13+$0x172A0];
	_ =	sdelay $0x4  }
0x24: {  	v4 =	vsub.s32 v3, v0  }
0x25: {  	vm0 =	vge.s32 v3, v0;
	vm1 =	vlt.s32 v3, v1;
	vm2 =	vgt.s32 v4, $0x0  }
0x26: {  	s12 =	sadd.s32 $0x1, s12;
	vm0 =	vmand vm0, vm1;
	v3 =	vnsel vm2, $0x0, v4  }
0x27: {  	v63 =	vld [tilespmem:s13+$0x17A70];
	p0 =	sne.s32 s12, $0x64;
	v3 =	vmin.u32 v3, $0x1729F  }
.Ltmp2:
0x28: {  	_ = 	snop;
	(pc) =	sbr.rel @p0 .LBB2_4-.Ltmp2, $2  }
0x29: {  	_ =	sdelay $0x2  }
0x2a: {  	[tilespmem:v3+s2+$0x0] =	vst.idx.msk vm0, v63  }
0x2b: {  	s10 =	sadd.s32 $0x1, s10  }
0x2c: {  	p0 =	sne.s32 s10, s6  }
.Ltmp3:
0x2d: {  	_ = 	snop;
	(pc) =	sbr.rel @p0 .LBB2_1-.Ltmp3, $4  }
0x2e: {  	[hbm4b:s5+s2] =	stream.linear.scatter [tilespmem:s2], [sflag:$0x1], $0x172A0, $0x38;
	[tilespmem:$0x18240] =	vst v63  }
0x2f: {  	_ =	swait.ge [sflag:s8], $0x172A0  }
0x30: {  	[sflag:s8] =	ssyncset.done $0x0  }
0x31: {  	[sflag:s8] =	ssyncadd.s32 $0xFFFE8D60  }
0x32: {  	_ =	sfence.sel $0x180000  }
0x33: {  	[bflag:$0x0] =	sbarrier.arrive $0xFFFF  }
0x34: {  	p0 =	sne.s32 s1, $0x0;
	_ =	strace $0x9000004D  }
0x35: {  	s0 =	sadd.s32 @!p0 $0x100000, s0;
	[bflag:$0x2] =	sbarrier.arrive $0xFFFF  }
0x36: {  	[sflag:s0] =	ssyncadd.tile.s32 @!p0 $0x1;
	_ =	shalt  }
.Lfunc_end2:
_tile_overlayer_lowered:
.L_overlay_start_2:
0x37: {  	(tag) =	ssettag $0x2  }
0x38: {  	s0 =	rddreg [dreg:$0x0];
	s2 =	stileid.u32  }
0x39: {  	s1 =	rddreg [dreg:$0x1];
	p0 =	sne.s32 s2, $0x0  }
0x3a: {  	s3 =	rddreg [dreg:$0x2];
	[bflag:$0x3] =	sbarrier.arrive $0xFFFF;
	s2 =	simm.s32 @!p0 $0x1C01  }
0x3b: {  	[timem:s3], [sflag:s2] =	dma.local @!p0 [hbm:s0], s1  }
0x3c: {  	s0 =	simm.s32 @!p0 $0x1  }
0x3d: {  	_ =	swait.ge @!p0 [sflag:s0], s1  }
0x3e: {  	s1 =	ssub.s32 @!p0 $0x0, s1;
	[sflag:s0] =	ssyncset.done @!p0 $0x0  }
0x3f: {  	[sflag:s0] =	ssyncadd.s32 @!p0 s1  }
0x40: {  	[bflag:$0x3] =	sbarrier.arrive $0xFFFF  }
0x41: {  	_ =	shalt  }

// kernel: kernel.17.cloned.1.call-start
scs
__scs_entry_jumppad:
0x0: {  	(pc) =	sbr.rel $0x88, $3  }
0x1: {  	(tag) =	ssettag $0x0;
	lr =	simm.s32 $0x1  }
0x2: {  	[smem:$0x3F99] =	sst lr;
	_ =	strace $0xD0000000  }
0x3: {  	_ = 	snop  }
0x4: {  	_ = 	snop  }
0x5: {  	_ = 	snop  }
0x6: {  	_ = 	snop  }
0x7: {  	_ = 	snop  }
__scs_overlays_trampoline_lowered:
0x8: {  	[smem:$0x3FA8] =	sst s0  }
0x9: {  	[smem:$0x3FA9] =	sst s1  }
0xa: {  	[smem:$0x3FAA] =	sst s2  }
0xb: {  	[smem:$0x3FAB] =	sst s3  }
0xc: {  	[smem:$0x3FAC] =	sst s4  }
0xd: {  	[smem:$0x3FAD] =	sst s5  }
0xe: {  	[smem:$0x3FAE] =	sst s6  }
0xf: {  	[smem:$0x3FAF] =	sst s7  }
0x10: {  	[smem:$0x3FB0] =	sst s8  }
0x11: {  	[smem:$0x3FB1] =	sst s9;
	s0 =	simm.s32 @!p0 $0x0  }
0x12: {  	s1 =	sld [smem:$0x3F97];
	s0 =	simm.s32 @p0 $0x1  }
0x13: {  	[smem:$0x3FB2] =	sst s0;
	s0 =	simm.s32 @!p1 $0x0  }
0x14: {  	s2 =	sld [smem:$0x3F96];
	s0 =	simm.s32 @p1 $0x1  }
0x15: {  	[smem:$0x3FB3] =	sst s0;
	s0 =	simm.s32 @!p2 $0x0  }
0x16: {  	s3 =	sld [smem:$0x3FDB];
	s0 =	simm.s32 @p2 $0x1  }
0x17: {  	s4 =	simm.s32 $0x1BF5;
	[smem:$0x3FB5] =	sst s0  }
0x18: {  	s0 =	sld [smem:$0x3F98];
	_ =	swait.ge [sflag:s4], $0x0  }
0x19: {  	s7 =	sld [smem:$0x3F99]  }
0x1a: {  	s8 =	sadd.s32 $0xFFFFE003, lr  }
0x1b: {  	s9 =	sadd.s32 $0xFFFFFEF7, lr;
	s5 =	simm.s32 $0xFFFFFFFF;
	p2 =	slt.u32 s8, $0xFFFFF086  }
0x1c: {  	p1 =	slt.u32 s9, $0xF7A;
	s5 =	simm.s32 @!p2 $0x0  }
0x1d: {  	s5 =	simm.s32 @p1 $0x1;
	p0 =	seq.s32 s7, s2  }
0x1e: {  	s7 =	smul.u32 @!p0 $0xF7A, s2;
	p2 =	seq.s32 @!p0 s5, $0x0  }
0x1f: {  	s9 =	smul.u32 $0xF7A, s1;
	s8 =	simm.s32 @!p0 $0x1BF5;
	p2 =	por !p2, p0  }
0x20: {  	[sflag:s8] =	ssyncset.s32 @!p0 $0xFFFFF086;
	s6 =	sadd.s32 @!p0 s3, s7;
	s7 =	simm.s32 @!p0 $0x108  }
0x21: {  	s3 =	sadd.s32 s3, s9;
	s6 =	sadd.s32 @!p0 $0x88, s6;
	s7 =	simm.s32 @p2 $0x1082  }
0x22: {  	[simem:s7], [sflag:s8] =	dma.local @!p0 [hbm:s6], $0xF7A  }
0x23: {  	s9 =	sor.u32 $0xD0000000, s2;
	s6 =	simm.s32 $0x108;
	_ =	swait.ge @!p0 [sflag:s8], $0x0  }
0x24: {  	s3 =	sadd.s32 $0x88, s3;
	s6 =	simm.s32 @!p1 $0x1082;
	[sflag:s4] =	ssyncset.s32 $0xFFFFF086  }
0x25: {  	[simem:s6], [sflag:s4] =	dma.local [hbm:s3], $0xF7A  }
0x26: {  	[smem:$0x3F99] =	sst s1;
	(tag) =	ssettag s2;
	_ =	strace s9  }
0x27: {  	s1 =	sld [smem:$0x3FA9]  }
0x28: {  	s2 =	sld [smem:$0x3FAA]  }
0x29: {  	s4 =	sld [smem:$0x3FAC]  }
0x2a: {  	p0 =	seq.s32 s5, $0x0;
	s5 =	sld [smem:$0x3FAD]  }
0x2b: {  	s6 =	sld [smem:$0x3FAE]  }
0x2c: {  	s7 =	sld [smem:$0x3FAF]  }
0x2d: {  	s3 =	simm.s32 $0x108;
	s8 =	sld [smem:$0x3FB0]  }
0x2e: {  	s3 =	simm.s32 @!p0 $0x1082;
	s9 =	sld [smem:$0x3FB1]  }
0x2f: {  	lr =	sadd.s32 s0, s3;
	s0 =	sld [smem:$0x3FA8]  }
0x30: {  	s3 =	sld [smem:$0x3FAB]  }
0x31: {  	[smem:$0x3FB4] =	sst s10  }
0x32: {  	s10 =	sld [smem:$0x3FB2];
	_ =	sdelay $0x3  }
0x33: {  	p0 =	seq.s32 s10, $0x1;
	s10 =	sld [smem:$0x3FB4];
	_ =	sdelay $0x3  }
0x34: {  	[smem:$0x3FB4] =	sst s10  }
0x35: {  	s10 =	sld [smem:$0x3FB3];
	_ =	sdelay $0x3  }
0x36: {  	p1 =	seq.s32 s10, $0x1;
	s10 =	sld [smem:$0x3FB4];
	_ =	sdelay $0x3  }
0x37: {  	[smem:$0x3FB4] =	sst s10  }
0x38: {  	s10 =	sld [smem:$0x3FB5]  }
0x39: {  	_ = 	snop;
	(pc) =	sbr.ind lr, $3  }
0x3a: {  	_ = 	snop  }
0x3b: {  	_ = 	snop  }
0x3c: {  	p2 =	seq.s32 s10, $0x1;
	s10 =	sld [smem:$0x3FB4]  }
0x3d: {  	_ =	shalt  }
0x3e: {  	_ =	shalt  }
0x3f: {  	_ =	shalt  }
0x40: {  	_ =	shalt  }
0x41: {  	_ =	shalt  }
0x42: {  	_ =	shalt  }
0x43: {  	_ =	shalt  }
0x44: {  	_ =	shalt  }
0x45: {  	_ =	shalt  }
0x46: {  	_ =	shalt  }
0x47: {  	_ =	shalt  }
0x48: {  	_ =	shalt  }
0x49: {  	_ =	shalt  }
0x4a: {  	_ =	shalt  }
0x4b: {  	_ =	shalt  }
0x4c: {  	_ =	shalt  }
0x4d: {  	_ =	shalt  }
0x4e: {  	_ =	shalt  }
0x4f: {  	_ =	shalt  }
0x50: {  	_ =	shalt  }
0x51: {  	_ =	shalt  }
0x52: {  	_ =	shalt  }
0x53: {  	_ =	shalt  }
0x54: {  	_ =	shalt  }
0x55: {  	_ =	shalt  }
0x56: {  	_ =	shalt  }
0x57: {  	_ =	shalt  }
0x58: {  	_ =	shalt  }
0x59: {  	_ =	shalt  }
0x5a: {  	_ =	shalt  }
0x5b: {  	_ =	shalt  }
0x5c: {  	_ =	shalt  }
0x5d: {  	_ =	shalt  }
0x5e: {  	_ =	shalt  }
0x5f: {  	_ =	shalt  }
0x60: {  	_ =	shalt  }
0x61: {  	_ =	shalt  }
0x62: {  	_ =	shalt  }
0x63: {  	_ =	shalt  }
0x64: {  	_ =	shalt  }
0x65: {  	_ =	shalt  }
0x66: {  	_ =	shalt  }
0x67: {  	_ =	shalt  }
0x68: {  	_ =	shalt  }
0x69: {  	_ =	shalt  }
0x6a: {  	_ =	shalt  }
0x6b: {  	_ =	shalt  }
0x6c: {  	_ =	shalt  }
0x6d: {  	_ =	shalt  }
0x6e: {  	_ =	shalt  }
0x6f: {  	_ =	shalt  }
0x70: {  	_ =	shalt  }
0x71: {  	_ =	shalt  }
0x72: {  	_ =	shalt  }
0x73: {  	_ =	shalt  }
0x74: {  	_ =	shalt  }
0x75: {  	_ =	shalt  }
0x76: {  	_ =	shalt  }
0x77: {  	_ =	shalt  }
0x78: {  	_ =	shalt  }
0x79: {  	_ =	shalt  }
0x7a: {  	_ =	shalt  }
0x7b: {  	_ =	shalt  }
0x7c: {  	_ =	shalt  }
0x7d: {  	_ =	shalt  }
0x7e: {  	_ =	shalt  }
0x7f: {  	_ =	shalt  }
0x80: {  	_ =	shalt  }
0x81: {  	_ =	shalt  }
0x82: {  	_ =	shalt  }
0x83: {  	_ =	shalt  }
0x84: {  	_ =	shalt  }
0x85: {  	_ =	shalt  }
0x86: {  	_ =	shalt  }
0x87: {  	_ =	shalt  }
.Lfunc_end0:
.L_simem_size_0:
called_computation.3_lowered:
.L_overlay_start_0:
0x88: {  	s2 =	sld [smem:$0x3FD9]  }
0x89: {  	s3 =	sld [smem:$0x3FFE];
	_ =	sdelay $0x1  }
0x8a: {  	s1 =	srdreg.scid  }
0x8b: {  	s0 =	sand.u32 $0x1, s1  }
0x8c: {  	s17 =	sshll.u32 s0, $0xA;
	s2 =	sadd.s32 s3, s2  }
0x8d: {  	s2 =	sadd.s32 s2, s17  }
0x8e: {  	[smem:$0x3FC0] =	sst s2  }
0x8f: {  	_ = 	snop  }
0x90: {  	s2 =	sld [smem:$0x3FD0];
	(tm) =	ssettm $0x1  }
0x91: {  	s18 =	sld [smem:$0x3FFB];
	_ =	sdelay $0x3  }
0x92: {  	_ =	strace s18  }
0x93: {  	s3 =	sld [smem:$0x3FFC];
	_ =	sdelay $0x3  }
0x94: {  	_ =	strace s3  }
0x95: {  	s3 =	sld [smem:$0x3FFD];
	_ =	sdelay $0x3  }
0x96: {  	_ =	strace s3  }
0x97: {  	_ =	strace $0x8FFFFFFF  }
0x98: {  	s19 =	sld [smem:$0x3FDB];
	_ =	sdelay $0x1  }
0x99: {  	s4 =	simm.s32 $_scs_section_size  }
0x9a: {  	s5 =	simm.s32 $_size__tile_overlayer_lowered;
	s6 =	simm.s32 $_tile_overlayer_lowered  }
0x9b: {  	s22 =	simm.s32 $0x1BFF;
	s21 =	sshll.u32 s6, $0x1;
	s3 =	sadd.s32 s4, s19  }
0x9c: {  	s7 =	simm.s32 $0x0;
	s20 =	sshll.u32 s5, $0x1;
	s5 =	sadd.s32 s21, s3  }
0x9d: {  	[timem:s7], [sflag:s22] =	dma.local [hbm:s5], s20  }
0x9e: {  	_ =	swait.ge [sflag:s22], s20  }
0x9f: {  	s4 =	ssub.s32 $0x0, s20;
	[sflag:s22] =	ssyncset.done $0x0  }
0xa0: {  	[sflag:s22] =	ssyncadd.s32 s4;
	_ =	sdelay $0x1  }
0xa1: {  	s23 =	simm.s32 $0x1B8B  }
0xa2: {  	_ =	swait.ge [sflag:s23], $0x1  }
0xa3: {  	[sflag:s23] =	ssyncset.done $0x0  }
0xa4: {  	s25 =	simm.s32 $0x1B8E;
	s24 =	sld [smem:$0x3FFE];
	[sflag:s23] =	ssyncadd.s32 $0xFFFFFFFF  }
0xa5: {  	s26 =	simm.s32 $execute0_lowered;
	[smem:$0x3FD2] =	sst s25  }
0xa6: {  	s5 =	sshll.u32 s26, $0x1;
	_ =	strace $0x8000004F;
	[dreg:$0x1] =	wrdreg $0xFFFFFFFF  }
0xa7: {  	s28 =	simm.s32 $_size_execute0_lowered;
	s3 =	sadd.s32 s3, s5;
	[dreg:$0x0] =	wrdreg $0x0  }
0xa8: {  	s5 =	sshll.u32 s28, $0x1;
	[dreg:$0x2] =	wrdreg s3  }
0xa9: {  	[dreg:$0x3] =	wrdreg s5  }
0xaa: {  	[dreg:$0x4] =	wrdreg $0xC0  }
0xab: {  	_ =	task [dreg:s7], $0x5FFFF  }
0xac: {  	[dreg:$0x1] =	wrdreg $0xFFFFFFFF  }
0xad: {  	[dreg:$0x0] =	wrdreg $0x60  }
0xae: {  	[dreg:$0x2] =	wrdreg s24  }
0xaf: {  	[dreg:$0x3] =	wrdreg s2  }
0xb0: {  	[dreg:$0x4] =	wrdreg $0x9  }
0xb1: {  	_ =	task.clear_ibuf [dreg:s7], $0x5FFFF;
	_ =	strace $0x9000004F  }
0xb2: {  	s29 =	simm.s32 $0x9;
	_ =	strace $0x80000051  }
0xb3: {  	_ =	swait.ge [sflag:s29], $0x1  }
0xb4: {  	[sflag:s29] =	ssyncadd.s32 $0xFFFFFFFF  }
0xb5: {  	_ =	strace $0x90000051  }
0xb6: {  	_ =	sfence  }
0xb7: {  	s30 =	sld [smem:$0x0];
	_ =	sdelay $0x2  }
0xb8: {  	s31 =	sshll.u32 s1, $0xD;
	s1 =	sshrl.u32 s1, $0x2  }
0xb9: {  	s3 =	sand.u32 $0x4000, s31;
	s1 =	sadd.s32 s1, s30  }
0xba: {  	s0 =	sor.u32 s3, s0;
	s1 =	sshll.u32 s1, $0x11  }
0xbb: {  	s0 =	sor.u32 s1, s0  }
0xbc: {  	s0 =	sadd.s32 $0x8F2B, s0  }
0xbd: {  	[sflag:s0] =	ssyncadd.remote.s32 $0x1  }
0xbe: {  	_ =	sfence.sel $0xFFFF  }
0xbf: {  	[dreg:$0x0] =	wrdreg $0xFFFFFFFF;
	(pc) =	sbr.abs _section_cstart, $3  }
0xc0: {  	[dreg:$0x1] =	wrdreg $0xFFFFFFFF  }
0xc1: {  	_ =	task.clear_ibuf [dreg:s7], $0x2FFFF;
	_ =	strace $0x9FFFFFFF  }
0xc2: {  	(tm) =	ssettm $0x7FFFFFFF  }
0xc3: {  	_ =	shalt  }
tec
execute0_lowered:
.L_overlay_start_1:
0x0: {  	(tag) =	ssettag $0x1  }
0x1: {  	s0 =	rddreg [dreg:$0x0];
	s1 =	simm.s32 $0x0  }
0x2: {  	s22 =	srdreg.scid;
	s8 =	stileid.u32;
	s10 =	simm.s32 $0x2  }
0x3: {  	s11 =	simm.s32 $0x8700;
	s12 =	simm.s32 $0x1;
	s13 =	simm.s32 $0x500  }
0x4: {  	s14 =	simm.s32 $0x11300;
	s28 =	simm.s32 $0x4600;
	s29 =	simm.s32 $0x4B00  }
0x5: {  	s30 =	simm.s32 $0x5000;
	s31 =	simm.s32 $0x5500;
	s9 =	simm.s32 $0x6900  }
0x6: {  	s15 =	simm.s32 $0x7800;
	s16 =	simm.s32 $0x7D00;
	s17 =	simm.s32 $0x8200  }
0x7: {  	s19 =	simm.s32 $0x0;
	[smem:$0x7FF] =	sst s1;
	s1 =	sand.u32 $0x1, s22  }
0x8: {  	s4 =	sadd.s32 $0xD000, s0;
	s5 =	sadd.s32 $0x12C0800, s0;
	s7 =	sshll.u32 s8, $0x1  }
0x9: {  	s6 =	sadd.s32 $0x13400, s0;
	s25 =	sshll.u32 s8, $0x8;
	s8 =	simm.s32 $0x6400  }
0xa: {  	_ =	strace $0x80000050;
	s2 =	ssub.s32 $0x2, s1;
	s24 =	sor.u32 s1, s7  }
0xb: {  	s1 =	sshll.u32 s1, $0x7;
	s3 =	sshrl.u32 s2, $0x1;
	s7 =	smul.u32 $0x1900, s24  }
0xc: {  	s26 =	sor.u32 s1, s25;
	s1 =	simm.s32 $0x6E00;
	s23 =	ssub.s32 s2, s3  }
0xd: {  	[dreg:$0x4] =	wrdreg s26;
	s3 =	simm.s32 $0x5F00;
	s0 =	smax.u32 s23, $0x1  }
0xe: {  	v0 =	vimm.f32 $0.0e+00;
	v1 =	vlaneseq.u32;
	s2 =	simm.s32 $0x7300;
	[dreg:$0x3] =	wrdreg s0;
	s0 =	simm.s32 $0x5A00  }
.LBB2_1:
0xf: {  	[dreg:$0x5] =	wrdreg s19  }
0x10: {  	s25 =	rddreg [dreg:$0x4];
	s19 =	simm.s32 $0x0  }
.LBB2_2:
0x11: {  	s18 =	smul.u32 $0x500, s19;
	_ =	sdelay $0x1  }
0x12: {  	s20 =	sadd.s32 s7, s18  }
0x13: {  	s18 =	sshrl.u32 s20, $0x3  }
0x14: {  	s21 =	simm.s32 $0x0;
	s18 =	sadd.s32 s4, s18  }
0x15: {  	[tilespmem:s21], [sflag:$0x2] =	stream.linear.gather [hbm4b:s18+s21], $0x500, $0x38;
	[tilespmem:$0x16300] =	vst v63  }
0x16: {  	_ =	swait.ge [sflag:s10], $0x500  }
0x17: {  	[sflag:s10] =	ssyncset.done $0x0  }
0x18: {  	s18 =	simm.s32 $0x0;
	[sflag:s10] =	ssyncadd.s32 $0xFFFFFB00  }
.LBB2_3:
0x19: {  	p0 =	sne.s32 s18, $0x13FC0  }
.Ltmp0:
0x1a: {  	_ = 	snop;
	(pc) =	sbr.rel @p0 .LBB2_3-.Ltmp0, $3  }
0x1b: {  	_ =	sdelay $0x1  }
0x1c: {  	s22 =	sshra.s32 s18, $0x2  }
0x1d: {  	s18 =	sadd.s32 $0x40, s18;
	[tilespmem:s22+$0x11300] =	vst v0  }
0x1e: {  	s22 =	simm.s32 $0x500  }
.LBB2_5:
0x1f: {  	s18 =	smul.u32 $0xAB, s21;
	_ =	sdelay $0x1  }
0x20: {  	s18 =	sshrl.u32 s18, $0x9  }
0x21: {  	s18 =	sand.u32 $0x7F, s18  }
0x22: {  	s23 =	smul.u32 $0x56, s18  }
0x23: {  	s24 =	smul.u32 $0x39, s21  }
0x24: {  	s23 =	sshrl.u32 s23, $0x8  }
0x25: {  	s24 =	sshrl.u32 s24, $0x9;
	s23 =	smul.u32 $0x3, s23  }
0x26: {  	s24 =	sand.u32 $0x7F, s24;
	s26 =	smul.u32 $0x3, s18  }
0x27: {  	s18 =	ssub.s32 s18, s23;
	s23 =	smul.u32 $0x113A0, s24  }
0x28: {  	s26 =	ssub.s32 s21, s26;
	s18 =	smul.u32 $0x2A, s18  }
0x29: {  	s24 =	sand.u32 $0xFF, s26  }
0x2a: {  	s23 =	sor.u32 s23, s24;
	s18 =	sand.u32 $0xFE, s18  }
0x2b: {  	s18 =	sadd.s32 s18, s23  }
0x2c: {  	s18 =	sadd.s32 $0xFFFEEC35, s18  }
0x2d: {  	v2 =	vmov s22;
	s23 =	simm.s32 $0x40;
	v3 =	vmov s18;
	s18 =	simm.s32 $0x0  }
.LBB2_6:
0x2e: {  	p0 =	sne.s32 s23, $0x13C0;
	v4 =	vld [tilespmem:s18+$0x0];
	_ =	sdelay $0x1  }
.Ltmp1:
0x2f: {  	(pc) =	sbr.rel @p0 .LBB2_6-.Ltmp1, $3  }
0x30: {  	_ =	sdelay $0x1  }
0x31: {  	v4 =	vadd.s32 v3, v4  }
0x32: {  	[tilespmem:v2+s18+$0x0 ss:$0x1] =	vst.idx.msk $0xffff, v4;
	s18 =	sshra.s32 s23, $0x2;
	s23 =	sadd.s32 $0x40, s23  }
0x33: {  	v4 =	vld [tilespmem:s18+$0x0];
	s21 =	sadd.s32 $0x1, s21  }
0x34: {  	p0 =	sne.s32 s21, $0x1B  }
.Ltmp2:
0x35: {  	_ = 	snop;
	(pc) =	sbr.rel @p0 .LBB2_5-.Ltmp2, $3  }
0x36: {  	_ =	sdelay $0x1  }
0x37: {  	v3 =	vadd.s32 v3, v4  }
0x38: {  	s22 =	sadd.s32 $0x500, s22;
	[tilespmem:v2+s18+$0x0 ss:$0x1] =	vst.idx.msk $0xffff, v3  }
0x39: {  	s21 =	simm.s32 $0x500;
	s22 =	simm.s32 $0x8C00;
	s18 =	rddreg [dreg:$0x1]  }
0x3a: {  	[tilespmem:s22], [sflag:$0x1] =	stream.indirect.gather [hbm4b:s18+s11], $0x1, s21, s11, $0xb8;
	[tilespmem:$0x16300] =	vst v63  }
0x3b: {  	_ =	swait.ge [sflag:s12], $0x8700  }
0x3c: {  	[sflag:s12] =	ssyncset.done $0x0  }
0x3d: {  	s23 =	simm.s32 $0x0;
	[sflag:s12] =	ssyncadd.s32 $0xFFFF7900  }
.LBB2_9:
0x3e: {  	v4 =	vmov s22;
	_ =	sdelay $0x3  }
0x3f: {  	s18 =	simm.s32 $0x0  }
0x40: {  	v5 =	vld.idx.msk [tilespmem:v4+s18+$0x0 ss:$0x1], $0xffff  }
0x41: {  	v2 =	vadd.s32 s25, v1  }
0x42: {  	v3 =	vand.u32 $0xFFF, v2  }
0x43: {  	v2 =	vmov s21;
	v3 =	vmul.u32 $0x1B, v3;
	_ =	sdelay $0x1  }
0x44: {  	v6 =	vadd.s32 $0x5265C0, v3;
	vm0 =	vlt.s32 v5, $0x5265C0  }
0x45: {  	v3 =	vmov s23;
	v5 =	vsel vm0, v5, v6  }
0x46: {  	v5 =	vadd.s32 v3, v5  }
0x47: {  	s24 =	simm.s32 $0x10;
	s26 =	simm.s32 $0x80;
	[tilespmem:v2+s18+$0x0 ss:$0x1] =	vst.idx.msk $0xffff, v5;
	s18 =	smov.u32 s25  }
.LBB2_10:
0x48: {  	p0 =	sne.s32 s26, $0x13C0;
	v5 =	vld.idx.msk [tilespmem:v4+s24+$0x0 ss:$0x1], $0xffff  }
0x49: {  	s18 =	sadd.s32 $0x10, s18  }
0x4a: {  	v6 =	vadd.s32 s18, v1  }
0x4b: {  	v6 =	vand.u32 $0xFFF, v6  }
0x4c: {  	v6 =	vmul.u32 $0x1B, v6  }
.Ltmp3:
0x4d: {  	(pc) =	sbr.rel @p0 .LBB2_10-.Ltmp3, $4  }
0x4e: {  	v6 =	vadd.s32 $0x5265C0, v6;
	vm0 =	vlt.s32 v5, $0x5265C0  }
0x4f: {  	v5 =	vsel vm0, v5, v6  }
0x50: {  	v5 =	vadd.s32 v3, v5  }
0x51: {  	[tilespmem:v2+s24+$0x0 ss:$0x1] =	vst.idx.msk $0xffff, v5;
	s24 =	sshra.s32 s26, $0x2;
	s26 =	sadd.s32 $0x40, s26  }
0x52: {  	_ =	sdelay $0x3  }
0x53: {  	v4 =	vld.idx.msk [tilespmem:v4+s24+$0x0 ss:$0x1], $0xffff;
	s18 =	sadd.s32 $0x10, s18  }
0x54: {  	v5 =	vadd.s32 s18, v1  }
0x55: {  	s23 =	sadd.s32 $0x1, s23;
	v5 =	vand.u32 $0xFFF, v5  }
0x56: {  	p0 =	sne.s32 s23, $0x1B;
	v5 =	vmul.u32 $0x1B, v5  }
.Ltmp4:
0x57: {  	_ = 	snop;
	(pc) =	sbr.rel @p0 .LBB2_9-.Ltmp4, $4  }
0x58: {  	v5 =	vadd.s32 $0x5265C0, v5;
	vm0 =	vlt.s32 v4, $0x5265C0  }
0x59: {  	v4 =	vsel vm0, v4, v5  }
0x5a: {  	v3 =	vadd.s32 v3, v4  }
0x5b: {  	s22 =	sadd.s32 $0x500, s22;
	s21 =	sadd.s32 $0x500, s21;
	[tilespmem:v2+s24+$0x0 ss:$0x1] =	vst.idx.msk $0xffff, v3  }
0x5c: {  	[tilespmem:s14], [sflag:$0x1] =	stream.indirect.gather.add.f32 [hbm:s5], $0x10, s13, s13, $0xb8;
	[tilespmem:$0x16300] =	vst v63  }
0x5d: {  	s18 =	simm.s32 $0xA00  }
0x5e: {  	[tilespmem:s14], [sflag:$0x1] =	stream.indirect.gather.add.f32 [hbm:s5], $0x10, s18, s13, $0xb8;
	[tilespmem:$0x16300] =	vst v63  }
0x5f: {  	s23 =	simm.s32 $0xF00  }
0x60: {  	[tilespmem:s14], [sflag:$0x1] =	stream.indirect.gather.add.f32 [hbm:s5], $0x10, s23, s13, $0xb8;
	[tilespmem:$0x16300] =	vst v63  }
0x61: {  	s24 =	simm.s32 $0x1400  }
0x62: {  	[tilespmem:s14], [sflag:$0x1] =	stream.indirect.gather.add.f32 [hbm:s5], $0x10, s24, s13, $0xb8;
	[tilespmem:$0x16300] =	vst v63  }
0x63: {  	s26 =	simm.s32 $0x1900  }
0x64: {  	[tilespmem:s14], [sflag:$0x1] =	stream.indirect.gather.add.f32 [hbm:s5], $0x10, s26, s13, $0xb8;
	[tilespmem:$0x16300] =	vst v63  }
0x65: {  	s21 =	simm.s32 $0x1E00  }
0x66: {  	[tilespmem:s14], [sflag:$0x1] =	stream.indirect.gather.add.f32 [hbm:s5], $0x10, s21, s13, $0xb8;
	[tilespmem:$0x16300] =	vst v63  }
0x67: {  	s22 =	simm.s32 $0x2300  }
0x68: {  	[tilespmem:s14], [sflag:$0x1] =	stream.indirect.gather.add.f32 [hbm:s5], $0x10, s22, s13, $0xb8;
	[tilespmem:$0x16300] =	vst v63  }
0x69: {  	s23 =	simm.s32 $0x2800  }
0x6a: {  	[tilespmem:s14], [sflag:$0x1] =	stream.indirect.gather.add.f32 [hbm:s5], $0x10, s23, s13, $0xb8;
	[tilespmem:$0x16300] =	vst v63  }
0x6b: {  	s24 =	simm.s32 $0x2D00  }
0x6c: {  	[tilespmem:s14], [sflag:$0x1] =	stream.indirect.gather.add.f32 [hbm:s5], $0x10, s24, s13, $0xb8;
	[tilespmem:$0x16300] =	vst v63  }
0x6d: {  	s26 =	simm.s32 $0x3200  }
0x6e: {  	[tilespmem:s14], [sflag:$0x1] =	stream.indirect.gather.add.f32 [hbm:s5], $0x10, s26, s13, $0xb8;
	[tilespmem:$0x16300] =	vst v63  }
0x6f: {  	s21 =	simm.s32 $0x3700  }
0x70: {  	[tilespmem:s14], [sflag:$0x1] =	stream.indirect.gather.add.f32 [hbm:s5], $0x10, s21, s13, $0xb8;
	[tilespmem:$0x16300] =	vst v63  }
0x71: {  	s22 =	simm.s32 $0x3C00  }
0x72: {  	[tilespmem:s14], [sflag:$0x1] =	stream.indirect.gather.add.f32 [hbm:s5], $0x10, s22, s13, $0xb8;
	[tilespmem:$0x16300] =	vst v63  }
0x73: {  	s23 =	simm.s32 $0x4100  }
0x74: {  	[tilespmem:s14], [sflag:$0x1] =	stream.indirect.gather.add.f32 [hbm:s5], $0x10, s23, s13, $0xb8;
	[tilespmem:$0x16300] =	vst v63  }
0x75: {  	_ = 	snop  }
0x76: {  	[tilespmem:s14], [sflag:$0x1] =	stream.indirect.gather.add.f32 [hbm:s5], $0x10, s28, s13, $0xb8;
	[tilespmem:$0x16300] =	vst v63  }
0x77: {  	_ = 	snop  }
0x78: {  	[tilespmem:s14], [sflag:$0x1] =	stream.indirect.gather.add.f32 [hbm:s5], $0x10, s29, s13, $0xb8;
	[tilespmem:$0x16300] =	vst v63  }
0x79: {  	_ = 	snop  }
0x7a: {  	[tilespmem:s14], [sflag:$0x1] =	stream.indirect.gather.add.f32 [hbm:s5], $0x10, s30, s13, $0xb8;
	[tilespmem:$0x16300] =	vst v63  }
0x7b: {  	_ = 	snop  }
0x7c: {  	[tilespmem:s14], [sflag:$0x1] =	stream.indirect.gather.add.f32 [hbm:s5], $0x10, s31, s13, $0xb8;
	[tilespmem:$0x16300] =	vst v63  }
0x7d: {  	_ = 	snop  }
0x7e: {  	[tilespmem:s14], [sflag:$0x1] =	stream.indirect.gather.add.f32 [hbm:s5], $0x10, s0, s13, $0xb8;
	[tilespmem:$0x16300] =	vst v63  }
0x7f: {  	_ = 	snop  }
0x80: {  	[tilespmem:s14], [sflag:$0x1] =	stream.indirect.gather.add.f32 [hbm:s5], $0x10, s3, s13, $0xb8;
	[tilespmem:$0x16300] =	vst v63  }
0x81: {  	_ = 	snop  }
0x82: {  	[tilespmem:s14], [sflag:$0x1] =	stream.indirect.gather.add.f32 [hbm:s5], $0x10, s8, s13, $0xb8;
	[tilespmem:$0x16300] =	vst v63  }
0x83: {  	_ = 	snop  }
0x84: {  	[tilespmem:s14], [sflag:$0x1] =	stream.indirect.gather.add.f32 [hbm:s5], $0x10, s9, s13, $0xb8;
	[tilespmem:$0x16300] =	vst v63  }
0x85: {  	_ = 	snop  }
0x86: {  	[tilespmem:s14], [sflag:$0x1] =	stream.indirect.gather.add.f32 [hbm:s5], $0x10, s1, s13, $0xb8;
	[tilespmem:$0x16300] =	vst v63  }
0x87: {  	_ = 	snop  }
0x88: {  	[tilespmem:s14], [sflag:$0x1] =	stream.indirect.gather.add.f32 [hbm:s5], $0x10, s2, s13, $0xb8;
	[tilespmem:$0x16300] =	vst v63  }
0x89: {  	_ = 	snop  }
0x8a: {  	[tilespmem:s14], [sflag:$0x1] =	stream.indirect.gather.add.f32 [hbm:s5], $0x10, s15, s13, $0xb8;
	[tilespmem:$0x16300] =	vst v63  }
0x8b: {  	_ = 	snop  }
0x8c: {  	[tilespmem:s14], [sflag:$0x1] =	stream.indirect.gather.add.f32 [hbm:s5], $0x10, s16, s13, $0xb8;
	[tilespmem:$0x16300] =	vst v63  }
0x8d: {  	_ = 	snop  }
0x8e: {  	[tilespmem:s14], [sflag:$0x1] =	stream.indirect.gather.add.f32 [hbm:s5], $0x10, s17, s13, $0xb8;
	[tilespmem:$0x16300] =	vst v63  }
0x8f: {  	_ = 	snop  }
0x90: {  	[tilespmem:s14], [sflag:$0x1] =	stream.indirect.gather.add.f32 [hbm:s5], $0x10, s11, s13, $0xb8;
	[tilespmem:$0x16300] =	vst v63  }
0x91: {  	_ =	swait.ge [sflag:s12], $0x5000  }
0x92: {  	[sflag:s12] =	ssyncset.done $0x0  }
0x93: {  	[sflag:s12] =	ssyncadd.s32 $0xFFFFB000  }
0x94: {  	_ =	swait.ge [sflag:s12], $0x5000  }
0x95: {  	[sflag:s12] =	ssyncset.done $0x0  }
0x96: {  	[sflag:s12] =	ssyncadd.s32 $0xFFFFB000  }
0x97: {  	_ =	swait.ge [sflag:s12], $0x5000  }
0x98: {  	[sflag:s12] =	ssyncset.done $0x0  }
0x99: {  	[sflag:s12] =	ssyncadd.s32 $0xFFFFB000  }
0x9a: {  	_ =	swait.ge [sflag:s12], $0x5000  }
0x9b: {  	[sflag:s12] =	ssyncset.done $0x0  }
0x9c: {  	[sflag:s12] =	ssyncadd.s32 $0xFFFFB000  }
0x9d: {  	_ =	swait.ge [sflag:s12], $0x5000  }
0x9e: {  	[sflag:s12] =	ssyncset.done $0x0  }
0x9f: {  	[sflag:s12] =	ssyncadd.s32 $0xFFFFB000  }
0xa0: {  	_ =	swait.ge [sflag:s12], $0x5000  }
0xa1: {  	[sflag:s12] =	ssyncset.done $0x0  }
0xa2: {  	[sflag:s12] =	ssyncadd.s32 $0xFFFFB000  }
0xa3: {  	_ =	swait.ge [sflag:s12], $0x5000  }
0xa4: {  	[sflag:s12] =	ssyncset.done $0x0  }
0xa5: {  	[sflag:s12] =	ssyncadd.s32 $0xFFFFB000  }
0xa6: {  	_ =	swait.ge [sflag:s12], $0x5000  }
0xa7: {  	[sflag:s12] =	ssyncset.done $0x0  }
0xa8: {  	[sflag:s12] =	ssyncadd.s32 $0xFFFFB000  }
0xa9: {  	_ =	swait.ge [sflag:s12], $0x5000  }
0xaa: {  	[sflag:s12] =	ssyncset.done $0x0  }
0xab: {  	[sflag:s12] =	ssyncadd.s32 $0xFFFFB000  }
0xac: {  	_ =	swait.ge [sflag:s12], $0x5000  }
0xad: {  	[sflag:s12] =	ssyncset.done $0x0  }
0xae: {  	[sflag:s12] =	ssyncadd.s32 $0xFFFFB000  }
0xaf: {  	_ =	swait.ge [sflag:s12], $0x5000  }
0xb0: {  	[sflag:s12] =	ssyncset.done $0x0  }
0xb1: {  	[sflag:s12] =	ssyncadd.s32 $0xFFFFB000  }
0xb2: {  	_ =	swait.ge [sflag:s12], $0x5000  }
0xb3: {  	[sflag:s12] =	ssyncset.done $0x0  }
0xb4: {  	[sflag:s12] =	ssyncadd.s32 $0xFFFFB000  }
0xb5: {  	_ =	swait.ge [sflag:s12], $0x5000  }
0xb6: {  	[sflag:s12] =	ssyncset.done $0x0  }
0xb7: {  	[sflag:s12] =	ssyncadd.s32 $0xFFFFB000  }
0xb8: {  	_ =	swait.ge [sflag:s12], $0x5000  }
0xb9: {  	[sflag:s12] =	ssyncset.done $0x0  }
0xba: {  	[sflag:s12] =	ssyncadd.s32 $0xFFFFB000  }
0xbb: {  	_ =	swait.ge [sflag:s12], $0x5000  }
0xbc: {  	[sflag:s12] =	ssyncset.done $0x0  }
0xbd: {  	[sflag:s12] =	ssyncadd.s32 $0xFFFFB000  }
0xbe: {  	_ =	swait.ge [sflag:s12], $0x5000  }
0xbf: {  	[sflag:s12] =	ssyncset.done $0x0  }
0xc0: {  	[sflag:s12] =	ssyncadd.s32 $0xFFFFB000  }
0xc1: {  	_ =	swait.ge [sflag:s12], $0x5000  }
0xc2: {  	[sflag:s12] =	ssyncset.done $0x0  }
0xc3: {  	[sflag:s12] =	ssyncadd.s32 $0xFFFFB000  }
0xc4: {  	_ =	swait.ge [sflag:s12], $0x5000  }
0xc5: {  	[sflag:s12] =	ssyncset.done $0x0  }
0xc6: {  	[sflag:s12] =	ssyncadd.s32 $0xFFFFB000  }
0xc7: {  	_ =	swait.ge [sflag:s12], $0x5000  }
0xc8: {  	[sflag:s12] =	ssyncset.done $0x0  }
0xc9: {  	[sflag:s12] =	ssyncadd.s32 $0xFFFFB000  }
0xca: {  	_ =	swait.ge [sflag:s12], $0x5000  }
0xcb: {  	[sflag:s12] =	ssyncset.done $0x0  }
0xcc: {  	[sflag:s12] =	ssyncadd.s32 $0xFFFFB000  }
0xcd: {  	_ =	swait.ge [sflag:s12], $0x5000  }
0xce: {  	[sflag:s12] =	ssyncset.done $0x0  }
0xcf: {  	[sflag:s12] =	ssyncadd.s32 $0xFFFFB000  }
0xd0: {  	_ =	swait.ge [sflag:s12], $0x5000  }
0xd1: {  	[sflag:s12] =	ssyncset.done $0x0  }
0xd2: {  	[sflag:s12] =	ssyncadd.s32 $0xFFFFB000  }
0xd3: {  	_ =	swait.ge [sflag:s12], $0x5000  }
0xd4: {  	[sflag:s12] =	ssyncset.done $0x0  }
0xd5: {  	[sflag:s12] =	ssyncadd.s32 $0xFFFFB000  }
0xd6: {  	_ =	swait.ge [sflag:s12], $0x5000  }
0xd7: {  	[sflag:s12] =	ssyncset.done $0x0  }
0xd8: {  	[sflag:s12] =	ssyncadd.s32 $0xFFFFB000  }
0xd9: {  	_ =	swait.ge [sflag:s12], $0x5000  }
0xda: {  	[sflag:s12] =	ssyncset.done $0x0  }
0xdb: {  	[sflag:s12] =	ssyncadd.s32 $0xFFFFB000  }
0xdc: {  	_ =	swait.ge [sflag:s12], $0x5000  }
0xdd: {  	[sflag:s12] =	ssyncset.done $0x0  }
0xde: {  	[sflag:s12] =	ssyncadd.s32 $0xFFFFB000  }
0xdf: {  	s19 =	sadd.s32 $0x1, s19;
	s24 =	sshll.u32 s20, $0x1;
	_ =	swait.ge [sflag:s12], $0x5000  }
0xe0: {  	p0 =	sne.s32 s19, $0x5;
	s18 =	sadd.s32 s6, s24;
	[sflag:s12] =	ssyncset.done $0x0  }
.Ltmp5:
0xe1: {  	s26 =	simm.s32 $0x0;
	[sflag:s12] =	ssyncadd.s32 $0xFFFFB000;
	(pc) =	sbr.rel @p0 .LBB2_2-.Ltmp5, $4  }
0xe2: {  	[hbm4b:s18+s26] =	stream.linear.scatter [tilespmem:s14], [sflag:$0x2], $0x5000, $0x38;
	[tilespmem:$0x16300] =	vst v63  }
0xe3: {  	_ =	swait.ge [sflag:s10], $0x5000  }
0xe4: {  	[sflag:s10] =	ssyncset.done $0x0  }
0xe5: {  	s25 =	sadd.s32 $0x25, s25;
	[sflag:s10] =	ssyncadd.s32 $0xFFFFB000  }
0xe6: {  	s19 =	rddreg [dreg:$0x5]  }
0xe7: {  	s18 =	rddreg [dreg:$0x3];
	s19 =	sadd.s32 $0x1, s19  }
0xe8: {  	p0 =	sne.s32 s19, s18  }
.Ltmp6:
0xe9: {  	_ = 	snop;
	(pc) =	sbr.rel @p0 .LBB2_1-.Ltmp6, $1  }
0xea: {  	_ =	sdelay $0x3  }
0xeb: {  	_ =	sfence.sel $0x180000  }
0xec: {  	[bflag:$0x0] =	sbarrier.arrive $0xFFFF  }
0xed: {  	_ =	strace $0x90000050  }
0xee: {  	s0 =	stileid.u32;
	[bflag:$0x2] =	sbarrier.arrive $0xFFFF  }
0xef: {  	p0 =	sne.s32 s0, $0x0;
	s0 =	rddreg [dreg:$0x2]  }
0xf0: {  	s0 =	sadd.s32 @!p0 $0x100000, s0  }
0xf1: {  	[sflag:s0] =	ssyncadd.tile.s32 @!p0 $0x1;
	_ =	shalt  }
.Lfunc_end2:
_tile_overlayer_lowered:
.L_overlay_start_2:
0xf2: {  	(tag) =	ssettag $0x2  }
0xf3: {  	s0 =	rddreg [dreg:$0x0];
	s2 =	stileid.u32  }
0xf4: {  	s1 =	rddreg [dreg:$0x1];
	p0 =	sne.s32 s2, $0x0  }
0xf5: {  	s3 =	rddreg [dreg:$0x2];
	[bflag:$0x3] =	sbarrier.arrive $0xFFFF;
	s2 =	simm.s32 @!p0 $0x1C02  }
0xf6: {  	[timem:s3], [sflag:s2] =	dma.local @!p0 [hbm:s0], s1  }
0xf7: {  	s0 =	simm.s32 @!p0 $0x2  }
0xf8: {  	_ =	swait.ge @!p0 [sflag:s0], s1  }
0xf9: {  	s1 =	ssub.s32 @!p0 $0x0, s1;
	[sflag:s0] =	ssyncset.done @!p0 $0x0  }
0xfa: {  	[sflag:s0] =	ssyncadd.s32 @!p0 s1  }
0xfb: {  	[bflag:$0x3] =	sbarrier.arrive $0xFFFF  }
0xfc: {  	_ =	shalt  }

// kernel: kernel.20.cloned.1.call-start
scs
__scs_entry_jumppad:
0x0: {  	(pc) =	sbr.rel $0x88, $3  }
0x1: {  	(tag) =	ssettag $0x0;
	lr =	simm.s32 $0x1  }
0x2: {  	[smem:$0x3F99] =	sst lr;
	_ =	strace $0xD0000000  }
0x3: {  	_ = 	snop  }
0x4: {  	_ = 	snop  }
0x5: {  	_ = 	snop  }
0x6: {  	_ = 	snop  }
0x7: {  	_ = 	snop  }
__scs_overlays_trampoline_lowered:
0x8: {  	[smem:$0x3FA8] =	sst s0  }
0x9: {  	[smem:$0x3FA9] =	sst s1  }
0xa: {  	[smem:$0x3FAA] =	sst s2  }
0xb: {  	[smem:$0x3FAB] =	sst s3  }
0xc: {  	[smem:$0x3FAC] =	sst s4  }
0xd: {  	[smem:$0x3FAD] =	sst s5  }
0xe: {  	[smem:$0x3FAE] =	sst s6  }
0xf: {  	[smem:$0x3FAF] =	sst s7  }
0x10: {  	[smem:$0x3FB0] =	sst s8  }
0x11: {  	[smem:$0x3FB1] =	sst s9;
	s0 =	simm.s32 @!p0 $0x0  }
0x12: {  	s1 =	sld [smem:$0x3F97];
	s0 =	simm.s32 @p0 $0x1  }
0x13: {  	[smem:$0x3FB2] =	sst s0;
	s0 =	simm.s32 @!p1 $0x0  }
0x14: {  	s2 =	sld [smem:$0x3F96];
	s0 =	simm.s32 @p1 $0x1  }
0x15: {  	[smem:$0x3FB3] =	sst s0;
	s0 =	simm.s32 @!p2 $0x0  }
0x16: {  	s3 =	sld [smem:$0x3FDB];
	s0 =	simm.s32 @p2 $0x1  }
0x17: {  	s4 =	simm.s32 $0x1BF5;
	[smem:$0x3FB5] =	sst s0  }
0x18: {  	s0 =	sld [smem:$0x3F98];
	_ =	swait.ge [sflag:s4], $0x0  }
0x19: {  	s7 =	sld [smem:$0x3F99]  }
0x1a: {  	s8 =	sadd.s32 $0xFFFFE003, lr  }
0x1b: {  	s9 =	sadd.s32 $0xFFFFFEF7, lr;
	s5 =	simm.s32 $0xFFFFFFFF;
	p2 =	slt.u32 s8, $0xFFFFF086  }
0x1c: {  	p1 =	slt.u32 s9, $0xF7A;
	s5 =	simm.s32 @!p2 $0x0  }
0x1d: {  	s5 =	simm.s32 @p1 $0x1;
	p0 =	seq.s32 s7, s2  }
0x1e: {  	s7 =	smul.u32 @!p0 $0xF7A, s2;
	p2 =	seq.s32 @!p0 s5, $0x0  }
0x1f: {  	s9 =	smul.u32 $0xF7A, s1;
	s8 =	simm.s32 @!p0 $0x1BF5;
	p2 =	por !p2, p0  }
0x20: {  	[sflag:s8] =	ssyncset.s32 @!p0 $0xFFFFF086;
	s6 =	sadd.s32 @!p0 s3, s7;
	s7 =	simm.s32 @!p0 $0x108  }
0x21: {  	s3 =	sadd.s32 s3, s9;
	s6 =	sadd.s32 @!p0 $0x88, s6;
	s7 =	simm.s32 @p2 $0x1082  }
0x22: {  	[simem:s7], [sflag:s8] =	dma.local @!p0 [hbm:s6], $0xF7A  }
0x23: {  	s9 =	sor.u32 $0xD0000000, s2;
	s6 =	simm.s32 $0x108;
	_ =	swait.ge @!p0 [sflag:s8], $0x0  }
0x24: {  	s3 =	sadd.s32 $0x88, s3;
	s6 =	simm.s32 @!p1 $0x1082;
	[sflag:s4] =	ssyncset.s32 $0xFFFFF086  }
0x25: {  	[simem:s6], [sflag:s4] =	dma.local [hbm:s3], $0xF7A  }
0x26: {  	[smem:$0x3F99] =	sst s1;
	(tag) =	ssettag s2;
	_ =	strace s9  }
0x27: {  	s1 =	sld [smem:$0x3FA9]  }
0x28: {  	s2 =	sld [smem:$0x3FAA]  }
0x29: {  	s4 =	sld [smem:$0x3FAC]  }
0x2a: {  	p0 =	seq.s32 s5, $0x0;
	s5 =	sld [smem:$0x3FAD]  }
0x2b: {  	s6 =	sld [smem:$0x3FAE]  }
0x2c: {  	s7 =	sld [smem:$0x3FAF]  }
0x2d: {  	s3 =	simm.s32 $0x108;
	s8 =	sld [smem:$0x3FB0]  }
0x2e: {  	s3 =	simm.s32 @!p0 $0x1082;
	s9 =	sld [smem:$0x3FB1]  }
0x2f: {  	lr =	sadd.s32 s0, s3;
	s0 =	sld [smem:$0x3FA8]  }
0x30: {  	s3 =	sld [smem:$0x3FAB]  }
0x31: {  	[smem:$0x3FB4] =	sst s10  }
0x32: {  	s10 =	sld [smem:$0x3FB2];
	_ =	sdelay $0x3  }
0x33: {  	p0 =	seq.s32 s10, $0x1;
	s10 =	sld [smem:$0x3FB4];
	_ =	sdelay $0x3  }
0x34: {  	[smem:$0x3FB4] =	sst s10  }
0x35: {  	s10 =	sld [smem:$0x3FB3];
	_ =	sdelay $0x3  }
0x36: {  	p1 =	seq.s32 s10, $0x1;
	s10 =	sld [smem:$0x3FB4];
	_ =	sdelay $0x3  }
0x37: {  	[smem:$0x3FB4] =	sst s10  }
0x38: {  	s10 =	sld [smem:$0x3FB5]  }
0x39: {  	_ = 	snop;
	(pc) =	sbr.ind lr, $3  }
0x3a: {  	_ = 	snop  }
0x3b: {  	_ = 	snop  }
0x3c: {  	p2 =	seq.s32 s10, $0x1;
	s10 =	sld [smem:$0x3FB4]  }
0x3d: {  	_ =	shalt  }
0x3e: {  	_ =	shalt  }
0x3f: {  	_ =	shalt  }
0x40: {  	_ =	shalt  }
0x41: {  	_ =	shalt  }
0x42: {  	_ =	shalt  }
0x43: {  	_ =	shalt  }
0x44: {  	_ =	shalt  }
0x45: {  	_ =	shalt  }
0x46: {  	_ =	shalt  }
0x47: {  	_ =	shalt  }
0x48: {  	_ =	shalt  }
0x49: {  	_ =	shalt  }
0x4a: {  	_ =	shalt  }
0x4b: {  	_ =	shalt  }
0x4c: {  	_ =	shalt  }
0x4d: {  	_ =	shalt  }
0x4e: {  	_ =	shalt  }
0x4f: {  	_ =	shalt  }
0x50: {  	_ =	shalt  }
0x51: {  	_ =	shalt  }
0x52: {  	_ =	shalt  }
0x53: {  	_ =	shalt  }
0x54: {  	_ =	shalt  }
0x55: {  	_ =	shalt  }
0x56: {  	_ =	shalt  }
0x57: {  	_ =	shalt  }
0x58: {  	_ =	shalt  }
0x59: {  	_ =	shalt  }
0x5a: {  	_ =	shalt  }
0x5b: {  	_ =	shalt  }
0x5c: {  	_ =	shalt  }
0x5d: {  	_ =	shalt  }
0x5e: {  	_ =	shalt  }
0x5f: {  	_ =	shalt  }
0x60: {  	_ =	shalt  }
0x61: {  	_ =	shalt  }
0x62: {  	_ =	shalt  }
0x63: {  	_ =	shalt  }
0x64: {  	_ =	shalt  }
0x65: {  	_ =	shalt  }
0x66: {  	_ =	shalt  }
0x67: {  	_ =	shalt  }
0x68: {  	_ =	shalt  }
0x69: {  	_ =	shalt  }
0x6a: {  	_ =	shalt  }
0x6b: {  	_ =	shalt  }
0x6c: {  	_ =	shalt  }
0x6d: {  	_ =	shalt  }
0x6e: {  	_ =	shalt  }
0x6f: {  	_ =	shalt  }
0x70: {  	_ =	shalt  }
0x71: {  	_ =	shalt  }
0x72: {  	_ =	shalt  }
0x73: {  	_ =	shalt  }
0x74: {  	_ =	shalt  }
0x75: {  	_ =	shalt  }
0x76: {  	_ =	shalt  }
0x77: {  	_ =	shalt  }
0x78: {  	_ =	shalt  }
0x79: {  	_ =	shalt  }
0x7a: {  	_ =	shalt  }
0x7b: {  	_ =	shalt  }
0x7c: {  	_ =	shalt  }
0x7d: {  	_ =	shalt  }
0x7e: {  	_ =	shalt  }
0x7f: {  	_ =	shalt  }
0x80: {  	_ =	shalt  }
0x81: {  	_ =	shalt  }
0x82: {  	_ =	shalt  }
0x83: {  	_ =	shalt  }
0x84: {  	_ =	shalt  }
0x85: {  	_ =	shalt  }
0x86: {  	_ =	shalt  }
0x87: {  	_ =	shalt  }
.Lfunc_end0:
.L_simem_size_0:
called_computation.4_lowered:
.L_overlay_start_0:
0x88: {  	s2 =	sld [smem:$0x3FD9]  }
0x89: {  	s3 =	sld [smem:$0x3FFE];
	_ =	sdelay $0x1  }
0x8a: {  	s1 =	srdreg.scid  }
0x8b: {  	s0 =	sand.u32 $0x1, s1  }
0x8c: {  	s17 =	sshll.u32 s0, $0xA;
	s2 =	sadd.s32 s3, s2  }
0x8d: {  	s2 =	sadd.s32 s2, s17  }
0x8e: {  	[smem:$0x3FC0] =	sst s2  }
0x8f: {  	_ = 	snop  }
0x90: {  	s2 =	sld [smem:$0x3FD0];
	(tm) =	ssettm $0x1  }
0x91: {  	s18 =	sld [smem:$0x3FFB];
	_ =	sdelay $0x3  }
0x92: {  	_ =	strace s18  }
0x93: {  	s3 =	sld [smem:$0x3FFC];
	_ =	sdelay $0x3  }
0x94: {  	_ =	strace s3  }
0x95: {  	s3 =	sld [smem:$0x3FFD];
	_ =	sdelay $0x3  }
0x96: {  	_ =	strace s3  }
0x97: {  	_ =	strace $0x8FFFFFFF  }
0x98: {  	s19 =	sld [smem:$0x3FDB];
	_ =	sdelay $0x1  }
0x99: {  	s4 =	simm.s32 $_scs_section_size  }
0x9a: {  	s5 =	simm.s32 $_size__tile_overlayer_lowered;
	s6 =	simm.s32 $_tile_overlayer_lowered  }
0x9b: {  	s22 =	simm.s32 $0x1BFF;
	s21 =	sshll.u32 s6, $0x1;
	s3 =	sadd.s32 s4, s19  }
0x9c: {  	s7 =	simm.s32 $0x0;
	s20 =	sshll.u32 s5, $0x1;
	s5 =	sadd.s32 s21, s3  }
0x9d: {  	[timem:s7], [sflag:s22] =	dma.local [hbm:s5], s20  }
0x9e: {  	_ =	swait.ge [sflag:s22], s20  }
0x9f: {  	s4 =	ssub.s32 $0x0, s20;
	[sflag:s22] =	ssyncset.done $0x0  }
0xa0: {  	[sflag:s22] =	ssyncadd.s32 s4;
	_ =	sdelay $0x1  }
0xa1: {  	s23 =	simm.s32 $0x1B8B  }
0xa2: {  	_ =	swait.ge [sflag:s23], $0x1  }
0xa3: {  	[sflag:s23] =	ssyncset.done $0x0  }
0xa4: {  	s25 =	simm.s32 $0x1B8E;
	s24 =	sld [smem:$0x3FFE];
	[sflag:s23] =	ssyncadd.s32 $0xFFFFFFFF  }
0xa5: {  	s26 =	simm.s32 $execute0_lowered;
	[smem:$0x3FD2] =	sst s25  }
0xa6: {  	s5 =	sshll.u32 s26, $0x1;
	_ =	strace $0x80000052;
	[dreg:$0x1] =	wrdreg $0xFFFFFFFF  }
0xa7: {  	s28 =	simm.s32 $_size_execute0_lowered;
	s3 =	sadd.s32 s3, s5;
	[dreg:$0x0] =	wrdreg $0x0  }
0xa8: {  	s5 =	sshll.u32 s28, $0x1;
	[dreg:$0x2] =	wrdreg s3  }
0xa9: {  	[dreg:$0x3] =	wrdreg s5  }
0xaa: {  	[dreg:$0x4] =	wrdreg $0xC0  }
0xab: {  	_ =	task [dreg:s7], $0x5FFFF  }
0xac: {  	[dreg:$0x1] =	wrdreg $0xFFFFFFFF  }
0xad: {  	[dreg:$0x0] =	wrdreg $0x60  }
0xae: {  	[dreg:$0x2] =	wrdreg s24  }
0xaf: {  	[dreg:$0x3] =	wrdreg s2  }
0xb0: {  	[dreg:$0x4] =	wrdreg $0x9  }
0xb1: {  	_ =	task.clear_ibuf [dreg:s7], $0x5FFFF;
	_ =	strace $0x90000052  }
0xb2: {  	s29 =	simm.s32 $0x9;
	_ =	strace $0x80000054  }
0xb3: {  	_ =	swait.ge [sflag:s29], $0x1  }
0xb4: {  	[sflag:s29] =	ssyncadd.s32 $0xFFFFFFFF  }
0xb5: {  	_ =	strace $0x90000054  }
0xb6: {  	_ =	sfence  }
0xb7: {  	s30 =	sld [smem:$0x0];
	_ =	sdelay $0x2  }
0xb8: {  	s31 =	sshll.u32 s1, $0xD;
	s1 =	sshrl.u32 s1, $0x2  }
0xb9: {  	s3 =	sand.u32 $0x4000, s31;
	s1 =	sadd.s32 s1, s30  }
0xba: {  	s0 =	sor.u32 s3, s0;
	s1 =	sshll.u32 s1, $0x11  }
0xbb: {  	s0 =	sor.u32 s1, s0  }
0xbc: {  	s0 =	sadd.s32 $0x8F2B, s0  }
0xbd: {  	[sflag:s0] =	ssyncadd.remote.s32 $0x1  }
0xbe: {  	_ =	sfence.sel $0xFFFF  }
0xbf: {  	[dreg:$0x0] =	wrdreg $0xFFFFFFFF;
	(pc) =	sbr.abs _section_cstart, $3  }
0xc0: {  	[dreg:$0x1] =	wrdreg $0xFFFFFFFF  }
0xc1: {  	_ =	task.clear_ibuf [dreg:s7], $0x2FFFF;
	_ =	strace $0x9FFFFFFF  }
0xc2: {  	(tm) =	ssettm $0x7FFFFFFF  }
0xc3: {  	_ =	shalt  }
tec
execute0_lowered:
.L_overlay_start_1:
0x0: {  	(tag) =	ssettag $0x1  }
0x1: {  	s0 =	rddreg [dreg:$0x0];
	s1 =	simm.s32 $0x0  }
0x2: {  	s22 =	srdreg.scid;
	s8 =	stileid.u32;
	s10 =	simm.s32 $0x2  }
0x3: {  	s11 =	simm.s32 $0x8700;
	s12 =	simm.s32 $0x1;
	s13 =	simm.s32 $0x500  }
0x4: {  	s14 =	simm.s32 $0x11300;
	s28 =	simm.s32 $0x4600;
	s29 =	simm.s32 $0x4B00  }
0x5: {  	s30 =	simm.s32 $0x5000;
	s31 =	simm.s32 $0x5500;
	s9 =	simm.s32 $0x6900  }
0x6: {  	s15 =	simm.s32 $0x7800;
	s16 =	simm.s32 $0x7D00;
	s17 =	simm.s32 $0x8200  }
0x7: {  	s19 =	simm.s32 $0x0;
	[smem:$0x7FF] =	sst s1;
	s1 =	sand.u32 $0x1, s22  }
0x8: {  	s4 =	sadd.s32 $0xD000, s0;
	s5 =	sadd.s32 $0x1017400, s0;
	s7 =	sshll.u32 s8, $0x1  }
0x9: {  	s6 =	sadd.s32 $0x13400, s0;
	s25 =	sshll.u32 s8, $0x8;
	s8 =	simm.s32 $0x6400  }
0xa: {  	_ =	strace $0x80000053;
	s2 =	ssub.s32 $0x2, s1;
	s24 =	sor.u32 s1, s7  }
0xb: {  	s1 =	sshll.u32 s1, $0x7;
	s3 =	sshrl.u32 s2, $0x1;
	s7 =	smul.u32 $0x1900, s24  }
0xc: {  	s26 =	sor.u32 s1, s25;
	s1 =	simm.s32 $0x6E00;
	s23 =	ssub.s32 s2, s3  }
0xd: {  	[dreg:$0x4] =	wrdreg s26;
	s3 =	simm.s32 $0x5F00;
	s0 =	smax.u32 s23, $0x1  }
0xe: {  	v0 =	vimm.f32 $0.0e+00;
	v1 =	vlaneseq.u32;
	s2 =	simm.s32 $0x7300;
	[dreg:$0x3] =	wrdreg s0;
	s0 =	simm.s32 $0x5A00  }
.LBB2_1:
0xf: {  	[dreg:$0x5] =	wrdreg s19  }
0x10: {  	s25 =	rddreg [dreg:$0x4];
	s19 =	simm.s32 $0x0  }
.LBB2_2:
0x11: {  	s18 =	smul.u32 $0x500, s19;
	_ =	sdelay $0x1  }
0x12: {  	s20 =	sadd.s32 s7, s18  }
0x13: {  	s18 =	sshrl.u32 s20, $0x3  }
0x14: {  	s21 =	simm.s32 $0x0;
	s18 =	sadd.s32 s4, s18  }
0x15: {  	[tilespmem:s21], [sflag:$0x2] =	stream.linear.gather [hbm4b:s18+s21], $0x500, $0x38;
	[tilespmem:$0x16300] =	vst v63  }
0x16: {  	_ =	swait.ge [sflag:s10], $0x500  }
0x17: {  	[sflag:s10] =	ssyncset.done $0x0  }
0x18: {  	s18 =	simm.s32 $0x0;
	[sflag:s10] =	ssyncadd.s32 $0xFFFFFB00  }
.LBB2_3:
0x19: {  	p0 =	sne.s32 s18, $0x13FC0  }
.Ltmp0:
0x1a: {  	_ = 	snop;
	(pc) =	sbr.rel @p0 .LBB2_3-.Ltmp0, $3  }
0x1b: {  	_ =	sdelay $0x1  }
0x1c: {  	s22 =	sshra.s32 s18, $0x2  }
0x1d: {  	s18 =	sadd.s32 $0x40, s18;
	[tilespmem:s22+$0x11300] =	vst v0  }
0x1e: {  	s22 =	simm.s32 $0x500  }
.LBB2_5:
0x1f: {  	s18 =	smul.u32 $0xAB, s21;
	_ =	sdelay $0x1  }
0x20: {  	s18 =	sshrl.u32 s18, $0x9  }
0x21: {  	s18 =	sand.u32 $0x7F, s18  }
0x22: {  	s23 =	smul.u32 $0x56, s18  }
0x23: {  	s24 =	smul.u32 $0x39, s21  }
0x24: {  	s23 =	sshrl.u32 s23, $0x8  }
0x25: {  	s24 =	sshrl.u32 s24, $0x9;
	s23 =	smul.u32 $0x3, s23  }
0x26: {  	s24 =	sand.u32 $0x7F, s24;
	s26 =	smul.u32 $0x3, s18  }
0x27: {  	s18 =	ssub.s32 s18, s23;
	s23 =	smul.u32 $0x113A0, s24  }
0x28: {  	s26 =	ssub.s32 s21, s26;
	s18 =	smul.u32 $0x2A, s18  }
0x29: {  	s24 =	sand.u32 $0xFF, s26  }
0x2a: {  	s23 =	sor.u32 s23, s24;
	s18 =	sand.u32 $0xFE, s18  }
0x2b: {  	s18 =	sadd.s32 s18, s23  }
0x2c: {  	s18 =	sadd.s32 $0xFFFEEC35, s18  }
0x2d: {  	v2 =	vmov s22;
	s23 =	simm.s32 $0x40;
	v3 =	vmov s18;
	s18 =	simm.s32 $0x0  }
.LBB2_6:
0x2e: {  	p0 =	sne.s32 s23, $0x13C0;
	v4 =	vld [tilespmem:s18+$0x0];
	_ =	sdelay $0x1  }
.Ltmp1:
0x2f: {  	(pc) =	sbr.rel @p0 .LBB2_6-.Ltmp1, $3  }
0x30: {  	_ =	sdelay $0x1  }
0x31: {  	v4 =	vadd.s32 v3, v4  }
0x32: {  	[tilespmem:v2+s18+$0x0 ss:$0x1] =	vst.idx.msk $0xffff, v4;
	s18 =	sshra.s32 s23, $0x2;
	s23 =	sadd.s32 $0x40, s23  }
0x33: {  	v4 =	vld [tilespmem:s18+$0x0];
	s21 =	sadd.s32 $0x1, s21  }
0x34: {  	p0 =	sne.s32 s21, $0x1B  }
.Ltmp2:
0x35: {  	_ = 	snop;
	(pc) =	sbr.rel @p0 .LBB2_5-.Ltmp2, $3  }
0x36: {  	_ =	sdelay $0x1  }
0x37: {  	v3 =	vadd.s32 v3, v4  }
0x38: {  	s22 =	sadd.s32 $0x500, s22;
	[tilespmem:v2+s18+$0x0 ss:$0x1] =	vst.idx.msk $0xffff, v3  }
0x39: {  	s21 =	simm.s32 $0x500;
	s22 =	simm.s32 $0x8C00;
	s18 =	rddreg [dreg:$0x1]  }
0x3a: {  	[tilespmem:s22], [sflag:$0x1] =	stream.indirect.gather [hbm4b:s18+s11], $0x1, s21, s11, $0xb8;
	[tilespmem:$0x16300] =	vst v63  }
0x3b: {  	_ =	swait.ge [sflag:s12], $0x8700  }
0x3c: {  	[sflag:s12] =	ssyncset.done $0x0  }
0x3d: {  	s23 =	simm.s32 $0x0;
	[sflag:s12] =	ssyncadd.s32 $0xFFFF7900  }
.LBB2_9:
0x3e: {  	v4 =	vmov s22;
	_ =	sdelay $0x3  }
0x3f: {  	s18 =	simm.s32 $0x0  }
0x40: {  	v5 =	vld.idx.msk [tilespmem:v4+s18+$0x0 ss:$0x1], $0xffff  }
0x41: {  	v2 =	vadd.s32 s25, v1  }
0x42: {  	v3 =	vand.u32 $0xFFF, v2  }
0x43: {  	v2 =	vmov s21;
	v3 =	vmul.u32 $0x1B, v3;
	_ =	sdelay $0x1  }
0x44: {  	v6 =	vadd.s32 $0x5265C0, v3;
	vm0 =	vlt.s32 v5, $0x5265C0  }
0x45: {  	v3 =	vmov s23;
	v5 =	vsel vm0, v5, v6  }
0x46: {  	v5 =	vadd.s32 v3, v5  }
0x47: {  	s24 =	simm.s32 $0x10;
	s26 =	simm.s32 $0x80;
	[tilespmem:v2+s18+$0x0 ss:$0x1] =	vst.idx.msk $0xffff, v5;
	s18 =	smov.u32 s25  }
.LBB2_10:
0x48: {  	p0 =	sne.s32 s26, $0x13C0;
	v5 =	vld.idx.msk [tilespmem:v4+s24+$0x0 ss:$0x1], $0xffff  }
0x49: {  	s18 =	sadd.s32 $0x10, s18  }
0x4a: {  	v6 =	vadd.s32 s18, v1  }
0x4b: {  	v6 =	vand.u32 $0xFFF, v6  }
0x4c: {  	v6 =	vmul.u32 $0x1B, v6  }
.Ltmp3:
0x4d: {  	(pc) =	sbr.rel @p0 .LBB2_10-.Ltmp3, $4  }
0x4e: {  	v6 =	vadd.s32 $0x5265C0, v6;
	vm0 =	vlt.s32 v5, $0x5265C0  }
0x4f: {  	v5 =	vsel vm0, v5, v6  }
0x50: {  	v5 =	vadd.s32 v3, v5  }
0x51: {  	[tilespmem:v2+s24+$0x0 ss:$0x1] =	vst.idx.msk $0xffff, v5;
	s24 =	sshra.s32 s26, $0x2;
	s26 =	sadd.s32 $0x40, s26  }
0x52: {  	_ =	sdelay $0x3  }
0x53: {  	v4 =	vld.idx.msk [tilespmem:v4+s24+$0x0 ss:$0x1], $0xffff;
	s18 =	sadd.s32 $0x10, s18  }
0x54: {  	v5 =	vadd.s32 s18, v1  }
0x55: {  	s23 =	sadd.s32 $0x1, s23;
	v5 =	vand.u32 $0xFFF, v5  }
0x56: {  	p0 =	sne.s32 s23, $0x1B;
	v5 =	vmul.u32 $0x1B, v5  }
.Ltmp4:
0x57: {  	_ = 	snop;
	(pc) =	sbr.rel @p0 .LBB2_9-.Ltmp4, $4  }
0x58: {  	v5 =	vadd.s32 $0x5265C0, v5;
	vm0 =	vlt.s32 v4, $0x5265C0  }
0x59: {  	v4 =	vsel vm0, v4, v5  }
0x5a: {  	v3 =	vadd.s32 v3, v4  }
0x5b: {  	s22 =	sadd.s32 $0x500, s22;
	s21 =	sadd.s32 $0x500, s21;
	[tilespmem:v2+s24+$0x0 ss:$0x1] =	vst.idx.msk $0xffff, v3  }
0x5c: {  	[tilespmem:s14], [sflag:$0x1] =	stream.indirect.gather.add.f32 [hbm:s5], $0x10, s13, s13, $0xb8;
	[tilespmem:$0x16300] =	vst v63  }
0x5d: {  	s18 =	simm.s32 $0xA00  }
0x5e: {  	[tilespmem:s14], [sflag:$0x1] =	stream.indirect.gather.add.f32 [hbm:s5], $0x10, s18, s13, $0xb8;
	[tilespmem:$0x16300] =	vst v63  }
0x5f: {  	s23 =	simm.s32 $0xF00  }
0x60: {  	[tilespmem:s14], [sflag:$0x1] =	stream.indirect.gather.add.f32 [hbm:s5], $0x10, s23, s13, $0xb8;
	[tilespmem:$0x16300] =	vst v63  }
0x61: {  	s24 =	simm.s32 $0x1400  }
0x62: {  	[tilespmem:s14], [sflag:$0x1] =	stream.indirect.gather.add.f32 [hbm:s5], $0x10, s24, s13, $0xb8;
	[tilespmem:$0x16300] =	vst v63  }
0x63: {  	s26 =	simm.s32 $0x1900  }
0x64: {  	[tilespmem:s14], [sflag:$0x1] =	stream.indirect.gather.add.f32 [hbm:s5], $0x10, s26, s13, $0xb8;
	[tilespmem:$0x16300] =	vst v63  }
0x65: {  	s21 =	simm.s32 $0x1E00  }
0x66: {  	[tilespmem:s14], [sflag:$0x1] =	stream.indirect.gather.add.f32 [hbm:s5], $0x10, s21, s13, $0xb8;
	[tilespmem:$0x16300] =	vst v63  }
0x67: {  	s22 =	simm.s32 $0x2300  }
0x68: {  	[tilespmem:s14], [sflag:$0x1] =	stream.indirect.gather.add.f32 [hbm:s5], $0x10, s22, s13, $0xb8;
	[tilespmem:$0x16300] =	vst v63  }
0x69: {  	s23 =	simm.s32 $0x2800  }
0x6a: {  	[tilespmem:s14], [sflag:$0x1] =	stream.indirect.gather.add.f32 [hbm:s5], $0x10, s23, s13, $0xb8;
	[tilespmem:$0x16300] =	vst v63  }
0x6b: {  	s24 =	simm.s32 $0x2D00  }
0x6c: {  	[tilespmem:s14], [sflag:$0x1] =	stream.indirect.gather.add.f32 [hbm:s5], $0x10, s24, s13, $0xb8;
	[tilespmem:$0x16300] =	vst v63  }
0x6d: {  	s26 =	simm.s32 $0x3200  }
0x6e: {  	[tilespmem:s14], [sflag:$0x1] =	stream.indirect.gather.add.f32 [hbm:s5], $0x10, s26, s13, $0xb8;
	[tilespmem:$0x16300] =	vst v63  }
0x6f: {  	s21 =	simm.s32 $0x3700  }
0x70: {  	[tilespmem:s14], [sflag:$0x1] =	stream.indirect.gather.add.f32 [hbm:s5], $0x10, s21, s13, $0xb8;
	[tilespmem:$0x16300] =	vst v63  }
0x71: {  	s22 =	simm.s32 $0x3C00  }
0x72: {  	[tilespmem:s14], [sflag:$0x1] =	stream.indirect.gather.add.f32 [hbm:s5], $0x10, s22, s13, $0xb8;
	[tilespmem:$0x16300] =	vst v63  }
0x73: {  	s23 =	simm.s32 $0x4100  }
0x74: {  	[tilespmem:s14], [sflag:$0x1] =	stream.indirect.gather.add.f32 [hbm:s5], $0x10, s23, s13, $0xb8;
	[tilespmem:$0x16300] =	vst v63  }
0x75: {  	_ = 	snop  }
0x76: {  	[tilespmem:s14], [sflag:$0x1] =	stream.indirect.gather.add.f32 [hbm:s5], $0x10, s28, s13, $0xb8;
	[tilespmem:$0x16300] =	vst v63  }
0x77: {  	_ = 	snop  }
0x78: {  	[tilespmem:s14], [sflag:$0x1] =	stream.indirect.gather.add.f32 [hbm:s5], $0x10, s29, s13, $0xb8;
	[tilespmem:$0x16300] =	vst v63  }
0x79: {  	_ = 	snop  }
0x7a: {  	[tilespmem:s14], [sflag:$0x1] =	stream.indirect.gather.add.f32 [hbm:s5], $0x10, s30, s13, $0xb8;
	[tilespmem:$0x16300] =	vst v63  }
0x7b: {  	_ = 	snop  }
0x7c: {  	[tilespmem:s14], [sflag:$0x1] =	stream.indirect.gather.add.f32 [hbm:s5], $0x10, s31, s13, $0xb8;
	[tilespmem:$0x16300] =	vst v63  }
0x7d: {  	_ = 	snop  }
0x7e: {  	[tilespmem:s14], [sflag:$0x1] =	stream.indirect.gather.add.f32 [hbm:s5], $0x10, s0, s13, $0xb8;
	[tilespmem:$0x16300] =	vst v63  }
0x7f: {  	_ = 	snop  }
0x80: {  	[tilespmem:s14], [sflag:$0x1] =	stream.indirect.gather.add.f32 [hbm:s5], $0x10, s3, s13, $0xb8;
	[tilespmem:$0x16300] =	vst v63  }
0x81: {  	_ = 	snop  }
0x82: {  	[tilespmem:s14], [sflag:$0x1] =	stream.indirect.gather.add.f32 [hbm:s5], $0x10, s8, s13, $0xb8;
	[tilespmem:$0x16300] =	vst v63  }
0x83: {  	_ = 	snop  }
0x84: {  	[tilespmem:s14], [sflag:$0x1] =	stream.indirect.gather.add.f32 [hbm:s5], $0x10, s9, s13, $0xb8;
	[tilespmem:$0x16300] =	vst v63  }
0x85: {  	_ = 	snop  }
0x86: {  	[tilespmem:s14], [sflag:$0x1] =	stream.indirect.gather.add.f32 [hbm:s5], $0x10, s1, s13, $0xb8;
	[tilespmem:$0x16300] =	vst v63  }
0x87: {  	_ = 	snop  }
0x88: {  	[tilespmem:s14], [sflag:$0x1] =	stream.indirect.gather.add.f32 [hbm:s5], $0x10, s2, s13, $0xb8;
	[tilespmem:$0x16300] =	vst v63  }
0x89: {  	_ = 	snop  }
0x8a: {  	[tilespmem:s14], [sflag:$0x1] =	stream.indirect.gather.add.f32 [hbm:s5], $0x10, s15, s13, $0xb8;
	[tilespmem:$0x16300] =	vst v63  }
0x8b: {  	_ = 	snop  }
0x8c: {  	[tilespmem:s14], [sflag:$0x1] =	stream.indirect.gather.add.f32 [hbm:s5], $0x10, s16, s13, $0xb8;
	[tilespmem:$0x16300] =	vst v63  }
0x8d: {  	_ = 	snop  }
0x8e: {  	[tilespmem:s14], [sflag:$0x1] =	stream.indirect.gather.add.f32 [hbm:s5], $0x10, s17, s13, $0xb8;
	[tilespmem:$0x16300] =	vst v63  }
0x8f: {  	_ = 	snop  }
0x90: {  	[tilespmem:s14], [sflag:$0x1] =	stream.indirect.gather.add.f32 [hbm:s5], $0x10, s11, s13, $0xb8;
	[tilespmem:$0x16300] =	vst v63  }
0x91: {  	_ =	swait.ge [sflag:s12], $0x5000  }
0x92: {  	[sflag:s12] =	ssyncset.done $0x0  }
0x93: {  	[sflag:s12] =	ssyncadd.s32 $0xFFFFB000  }
0x94: {  	_ =	swait.ge [sflag:s12], $0x5000  }
0x95: {  	[sflag:s12] =	ssyncset.done $0x0  }
0x96: {  	[sflag:s12] =	ssyncadd.s32 $0xFFFFB000  }
0x97: {  	_ =	swait.ge [sflag:s12], $0x5000  }
0x98: {  	[sflag:s12] =	ssyncset.done $0x0  }
0x99: {  	[sflag:s12] =	ssyncadd.s32 $0xFFFFB000  }
0x9a: {  	_ =	swait.ge [sflag:s12], $0x5000  }
0x9b: {  	[sflag:s12] =	ssyncset.done $0x0  }
0x9c: {  	[sflag:s12] =	ssyncadd.s32 $0xFFFFB000  }
0x9d: {  	_ =	swait.ge [sflag:s12], $0x5000  }
0x9e: {  	[sflag:s12] =	ssyncset.done $0x0  }
0x9f: {  	[sflag:s12] =	ssyncadd.s32 $0xFFFFB000  }
0xa0: {  	_ =	swait.ge [sflag:s12], $0x5000  }
0xa1: {  	[sflag:s12] =	ssyncset.done $0x0  }
0xa2: {  	[sflag:s12] =	ssyncadd.s32 $0xFFFFB000  }
0xa3: {  	_ =	swait.ge [sflag:s12], $0x5000  }
0xa4: {  	[sflag:s12] =	ssyncset.done $0x0  }
0xa5: {  	[sflag:s12] =	ssyncadd.s32 $0xFFFFB000  }
0xa6: {  	_ =	swait.ge [sflag:s12], $0x5000  }
0xa7: {  	[sflag:s12] =	ssyncset.done $0x0  }
0xa8: {  	[sflag:s12] =	ssyncadd.s32 $0xFFFFB000  }
0xa9: {  	_ =	swait.ge [sflag:s12], $0x5000  }
0xaa: {  	[sflag:s12] =	ssyncset.done $0x0  }
0xab: {  	[sflag:s12] =	ssyncadd.s32 $0xFFFFB000  }
0xac: {  	_ =	swait.ge [sflag:s12], $0x5000  }
0xad: {  	[sflag:s12] =	ssyncset.done $0x0  }
0xae: {  	[sflag:s12] =	ssyncadd.s32 $0xFFFFB000  }
0xaf: {  	_ =	swait.ge [sflag:s12], $0x5000  }
0xb0: {  	[sflag:s12] =	ssyncset.done $0x0  }
0xb1: {  	[sflag:s12] =	ssyncadd.s32 $0xFFFFB000  }
0xb2: {  	_ =	swait.ge [sflag:s12], $0x5000  }
0xb3: {  	[sflag:s12] =	ssyncset.done $0x0  }
0xb4: {  	[sflag:s12] =	ssyncadd.s32 $0xFFFFB000  }
0xb5: {  	_ =	swait.ge [sflag:s12], $0x5000  }
0xb6: {  	[sflag:s12] =	ssyncset.done $0x0  }
0xb7: {  	[sflag:s12] =	ssyncadd.s32 $0xFFFFB000  }
0xb8: {  	_ =	swait.ge [sflag:s12], $0x5000  }
0xb9: {  	[sflag:s12] =	ssyncset.done $0x0  }
0xba: {  	[sflag:s12] =	ssyncadd.s32 $0xFFFFB000  }
0xbb: {  	_ =	swait.ge [sflag:s12], $0x5000  }
0xbc: {  	[sflag:s12] =	ssyncset.done $0x0  }
0xbd: {  	[sflag:s12] =	ssyncadd.s32 $0xFFFFB000  }
0xbe: {  	_ =	swait.ge [sflag:s12], $0x5000  }
0xbf: {  	[sflag:s12] =	ssyncset.done $0x0  }
0xc0: {  	[sflag:s12] =	ssyncadd.s32 $0xFFFFB000  }
0xc1: {  	_ =	swait.ge [sflag:s12], $0x5000  }
0xc2: {  	[sflag:s12] =	ssyncset.done $0x0  }
0xc3: {  	[sflag:s12] =	ssyncadd.s32 $0xFFFFB000  }
0xc4: {  	_ =	swait.ge [sflag:s12], $0x5000  }
0xc5: {  	[sflag:s12] =	ssyncset.done $0x0  }
0xc6: {  	[sflag:s12] =	ssyncadd.s32 $0xFFFFB000  }
0xc7: {  	_ =	swait.ge [sflag:s12], $0x5000  }
0xc8: {  	[sflag:s12] =	ssyncset.done $0x0  }
0xc9: {  	[sflag:s12] =	ssyncadd.s32 $0xFFFFB000  }
0xca: {  	_ =	swait.ge [sflag:s12], $0x5000  }
0xcb: {  	[sflag:s12] =	ssyncset.done $0x0  }
0xcc: {  	[sflag:s12] =	ssyncadd.s32 $0xFFFFB000  }
0xcd: {  	_ =	swait.ge [sflag:s12], $0x5000  }
0xce: {  	[sflag:s12] =	ssyncset.done $0x0  }
0xcf: {  	[sflag:s12] =	ssyncadd.s32 $0xFFFFB000  }
0xd0: {  	_ =	swait.ge [sflag:s12], $0x5000  }
0xd1: {  	[sflag:s12] =	ssyncset.done $0x0  }
0xd2: {  	[sflag:s12] =	ssyncadd.s32 $0xFFFFB000  }
0xd3: {  	_ =	swait.ge [sflag:s12], $0x5000  }
0xd4: {  	[sflag:s12] =	ssyncset.done $0x0  }
0xd5: {  	[sflag:s12] =	ssyncadd.s32 $0xFFFFB000  }
0xd6: {  	_ =	swait.ge [sflag:s12], $0x5000  }
0xd7: {  	[sflag:s12] =	ssyncset.done $0x0  }
0xd8: {  	[sflag:s12] =	ssyncadd.s32 $0xFFFFB000  }
0xd9: {  	_ =	swait.ge [sflag:s12], $0x5000  }
0xda: {  	[sflag:s12] =	ssyncset.done $0x0  }
0xdb: {  	[sflag:s12] =	ssyncadd.s32 $0xFFFFB000  }
0xdc: {  	_ =	swait.ge [sflag:s12], $0x5000  }
0xdd: {  	[sflag:s12] =	ssyncset.done $0x0  }
0xde: {  	[sflag:s12] =	ssyncadd.s32 $0xFFFFB000  }
0xdf: {  	s19 =	sadd.s32 $0x1, s19;
	s24 =	sshll.u32 s20, $0x1;
	_ =	swait.ge [sflag:s12], $0x5000  }
0xe0: {  	p0 =	sne.s32 s19, $0x5;
	s18 =	sadd.s32 s6, s24;
	[sflag:s12] =	ssyncset.done $0x0  }
.Ltmp5:
0xe1: {  	s26 =	simm.s32 $0x0;
	[sflag:s12] =	ssyncadd.s32 $0xFFFFB000;
	(pc) =	sbr.rel @p0 .LBB2_2-.Ltmp5, $4  }
0xe2: {  	[hbm4b:s18+s26] =	stream.linear.scatter [tilespmem:s14], [sflag:$0x2], $0x5000, $0x38;
	[tilespmem:$0x16300] =	vst v63  }
0xe3: {  	_ =	swait.ge [sflag:s10], $0x5000  }
0xe4: {  	[sflag:s10] =	ssyncset.done $0x0  }
0xe5: {  	s25 =	sadd.s32 $0x25, s25;
	[sflag:s10] =	ssyncadd.s32 $0xFFFFB000  }
0xe6: {  	s19 =	rddreg [dreg:$0x5]  }
0xe7: {  	s18 =	rddreg [dreg:$0x3];
	s19 =	sadd.s32 $0x1, s19  }
0xe8: {  	p0 =	sne.s32 s19, s18  }
.Ltmp6:
0xe9: {  	_ = 	snop;
	(pc) =	sbr.rel @p0 .LBB2_1-.Ltmp6, $1  }
0xea: {  	_ =	sdelay $0x3  }
0xeb: {  	_ =	sfence.sel $0x180000  }
0xec: {  	[bflag:$0x0] =	sbarrier.arrive $0xFFFF  }
0xed: {  	_ =	strace $0x90000053  }
0xee: {  	s0 =	stileid.u32;
	[bflag:$0x2] =	sbarrier.arrive $0xFFFF  }
0xef: {  	p0 =	sne.s32 s0, $0x0;
	s0 =	rddreg [dreg:$0x2]  }
0xf0: {  	s0 =	sadd.s32 @!p0 $0x100000, s0  }
0xf1: {  	[sflag:s0] =	ssyncadd.tile.s32 @!p0 $0x1;
	_ =	shalt  }
.Lfunc_end2:
_tile_overlayer_lowered:
.L_overlay_start_2:
0xf2: {  	(tag) =	ssettag $0x2  }
0xf3: {  	s0 =	rddreg [dreg:$0x0];
	s2 =	stileid.u32  }
0xf4: {  	s1 =	rddreg [dreg:$0x1];
	p0 =	sne.s32 s2, $0x0  }
0xf5: {  	s3 =	rddreg [dreg:$0x2];
	[bflag:$0x3] =	sbarrier.arrive $0xFFFF;
	s2 =	simm.s32 @!p0 $0x1C02  }
0xf6: {  	[timem:s3], [sflag:s2] =	dma.local @!p0 [hbm:s0], s1  }
0xf7: {  	s0 =	simm.s32 @!p0 $0x2  }
0xf8: {  	_ =	swait.ge @!p0 [sflag:s0], s1  }
0xf9: {  	s1 =	ssub.s32 @!p0 $0x0, s1;
	[sflag:s0] =	ssyncset.done @!p0 $0x0  }
0xfa: {  	[sflag:s0] =	ssyncadd.s32 @!p0 s1  }
0xfb: {  	[bflag:$0x3] =	sbarrier.arrive $0xFFFF  }
0xfc: {  	_ =	shalt  }

</sc_bundles>
